<compile_context>
chip_gen: v7x
topology: tpu7x:2x2x1
jax: 0.10.2.dev20260603
libtpu: 0.0.44.dev20260713+nightly
codegen_flags: <defaults>
</compile_context>

<pallas_src>
import functools

import jax
import jax.numpy as jnp
from jax import lax
from jax.experimental import pallas as pl
from jax.experimental.pallas import tpu as pltpu
from jax.experimental.pallas import tpu_sc as plsc

EMB = 128
NC = 2
NS = 16
NW = NC * NS
NBUF = 6
LOOK = 4


def _emb_body(n_b, seq, table_hbm, idx_hbm, out_hbm, idx_v, rows_v, *sems):
    gsems = sems[:NBUF]
    ssems = sems[NBUF:]
    wid = lax.axis_index("s") * NC + lax.axis_index("c")
    base = wid * n_b
    pltpu.sync_copy(idx_hbm.at[:, pl.ds(base, n_b)], idx_v)

    def fire_gather(j, b):
        pltpu.async_copy(table_hbm.at[idx_v.at[j]], rows_v.at[b], gsems[b])

    def wait_gather(j, b):
        pltpu.make_async_copy(
            table_hbm.at[idx_v.at[j]], rows_v.at[b], gsems[b]).wait()

    def out_slice(j):
        return out_hbm.at[j, pl.ds(base, n_b)]

    def fire_store(j, b):
        pltpu.async_copy(rows_v.at[b], out_slice(j), ssems[b])

    def wait_store(j, b):
        pltpu.make_async_copy(rows_v.at[b], out_slice(j), ssems[b]).wait()

    j0 = NBUF - LOOK
    assert seq > NBUF
    for j in range(LOOK):
        fire_gather(j, j % NBUF)
    for j in range(j0):
        fire_gather(j + LOOK, (j + LOOK) % NBUF)
        wait_gather(j, j % NBUF)
        fire_store(j, j % NBUF)

    mid = seq - NBUF
    grps = mid // NBUF

    def step(j, b, bf):
        wait_store(j - j0, bf)
        fire_gather(j + LOOK, bf)
        wait_gather(j, b)
        fire_store(j, b)

    def outer(g, carry):
        jg = j0 + g * NBUF
        for r in range(NBUF):
            step(jg + r, (j0 + r) % NBUF, (j0 + r + LOOK) % NBUF)
        return carry

    lax.fori_loop(0, grps, outer, 0)
    for j in range(j0 + grps * NBUF, seq - LOOK):
        step(j, j % NBUF, (j + LOOK) % NBUF)

    for j in range(seq - LOOK, seq):
        wait_store(j - j0, (j + LOOK) % NBUF)
        wait_gather(j, j % NBUF)
        fire_store(j, j % NBUF)
    for j in range(seq - j0, seq):
        wait_store(j, j % NBUF)


@functools.partial(jax.jit, static_argnames=("n_b", "seq"))
def _emb_call(table, idx_t, n_b, seq):
    fn = pl.kernel(
        functools.partial(_emb_body, n_b, seq),
        mesh=plsc.VectorSubcoreMesh(core_axis_name="c", subcore_axis_name="s"),
        compiler_params=pltpu.CompilerParams(use_tc_tiling_on_sc=True),
        out_type=jax.ShapeDtypeStruct((seq, NW * n_b, EMB), jnp.float32),
        scratch_types=[
            pltpu.VMEM((seq, n_b), jnp.int32),
            pltpu.VMEM((NBUF, n_b, EMB), jnp.float32),
        ] + [pltpu.SemaphoreType.DMA] * (2 * NBUF),
    )
    return fn(table, idx_t)


def kernel(indices, table):
    bsz, seq = indices.shape
    assert bsz % NW == 0
    n_b = bsz // NW
    idx_t = indices.astype(jnp.int32).T
    out_t = _emb_call(table, idx_t, n_b, seq)
    return jnp.transpose(out_t, (1, 0, 2))

# --- scband reference (transcript-rebuilt; emitter-appended) ---
"""Pipeline reference for scband-embedding-1760936591739 (READ-ONLY COPY).

The authoritative reference and input builder live on the scoring server;
editing this copy changes nothing except your own understanding.
"""

import jax, jax.numpy as jnp
import numpy as np

VOCAB = 100000
EMB = 128
PADDING_IDX = VOCAB  # table has VOCAB+1 rows; last row is padding

def setup_inputs(seed: int = 0) -> dict:
    key = jax.random.key(seed)
    k_idx, k_tab = jax.random.split(key)
    indices = jax.random.randint(k_idx, (4096, 50), 0, VOCAB, dtype=jnp.int64 if jax.config.jax_enable_x64 else jnp.int32)
    table = jax.random.normal(k_tab, (VOCAB + 1, EMB), dtype=jnp.float32)
    # nn.Embedding zeros the padding row at init
    table = table.at[PADDING_IDX].set(0.0)
    return {"indices": indices, "table": table}

def reference(indices, table):
    # Faithful to Embedding.forwards: lookup (OOV symbols map to padding_idx,
    # already encoded in the integer indices).
    return jnp.take(table, indices, axis=0)

if __name__ == "__main__":
    import jax
    _d = setup_inputs()
    print(jax.jit(kernel)(*tuple(_d.values())))

</pallas_src>

<mosaic_0001>
#map = affine_map<(d0, d1) -> (0, 0)>
#map1 = affine_map<(d0, d1) -> (0, 0, 0)>
module attributes {stable_mosaic.version = 14 : i64} {
  func.func @_emb_body(%arg0: i32, %arg1: i32, %arg2: memref<100001x128xf32, #tpu.memory_space<hbm>>, %arg3: memref<50x4096xi32, #tpu.memory_space<hbm>>, %arg4: memref<50x4096x128xf32, #tpu.memory_space<hbm>>, %arg5: memref<50x128xi32, #tpu.memory_space<vmem>>, %arg6: memref<6x128x128xf32, #tpu.memory_space<vmem>>, %arg7: memref<!tpu.dma_semaphore, #tpu.memory_space<semaphore_mem>>, %arg8: memref<!tpu.dma_semaphore, #tpu.memory_space<semaphore_mem>>, %arg9: memref<!tpu.dma_semaphore, #tpu.memory_space<semaphore_mem>>, %arg10: memref<!tpu.dma_semaphore, #tpu.memory_space<semaphore_mem>>, %arg11: memref<!tpu.dma_semaphore, #tpu.memory_space<semaphore_mem>>, %arg12: memref<!tpu.dma_semaphore, #tpu.memory_space<semaphore_mem>>, %arg13: memref<!tpu.dma_semaphore, #tpu.memory_space<semaphore_mem>>, %arg14: memref<!tpu.dma_semaphore, #tpu.memory_space<semaphore_mem>>, %arg15: memref<!tpu.dma_semaphore, #tpu.memory_space<semaphore_mem>>, %arg16: memref<!tpu.dma_semaphore, #tpu.memory_space<semaphore_mem>>, %arg17: memref<!tpu.dma_semaphore, #tpu.memory_space<semaphore_mem>>, %arg18: memref<!tpu.dma_semaphore, #tpu.memory_space<semaphore_mem>>) attributes {dimension_semantics = [#tpu.dimension_semantics<core_parallel>, #tpu.dimension_semantics<subcore_parallel>], iteration_bounds = array<i64: 2, 16>, scalar_prefetch = 0 : i64, scratch_operands = 14 : i64, tpu.core_type = #tpu.core_type<sc_vector_subcore>, window_params = [{transform_indices = #map}, {transform_indices = #map}, {transform_indices = #map1}]} {
    %mul3A = arith.constant 2 : i32
    %mul3A_0 = arith.muli %arg1, %mul3A : i32
    %add3A = arith.addi %mul3A_0, %arg0 : i32
    %mul3A_1 = arith.constant 128 : i32
    %mul3A_2 = arith.muli %add3A, %mul3A_1 : i32
    "tpu.region"() ({
      %run_scoped3A = tpu.sem_alloc : memref<!tpu.dma_semaphore, #tpu.memory_space<semaphore_mem>>
      %dma_start3A_454 = arith.constant 0 : i32
      %dma_start3A_455 = tpu.memref_slice %arg3[%dma_start3A_454, %mul3A_2] : memref<50x4096xi32, #tpu.memory_space<hbm>> -> memref<50x128xi32, #tpu.memory_space<hbm>>
      %dma_start3A_456 = arith.constant 0 : i32
      %dma_start3A_457 = tpu.memref_slice %arg3[%dma_start3A_456, %mul3A_2] : memref<50x4096xi32, #tpu.memory_space<hbm>> -> memref<50x128xi32, #tpu.memory_space<hbm>>
      tpu.enqueue_dma source(%dma_start3A_457 : memref<50x128xi32, #tpu.memory_space<hbm>>) target(%arg5 : memref<50x128xi32, #tpu.memory_space<vmem>>) target_semaphore(%run_scoped3A : memref<!tpu.dma_semaphore, #tpu.memory_space<semaphore_mem>>)
      %dma_wait3A_458 = arith.constant 0 : i32
      %dma_wait3A_459 = tpu.memref_slice %arg3[%dma_wait3A_458, %mul3A_2] : memref<50x4096xi32, #tpu.memory_space<hbm>> -> memref<50x128xi32, #tpu.memory_space<hbm>>
      %dma_wait3A_460 = arith.constant 0 : i32
      %dma_wait3A_461 = tpu.memref_slice %arg3[%dma_wait3A_460, %mul3A_2] : memref<50x4096xi32, #tpu.memory_space<hbm>> -> memref<50x128xi32, #tpu.memory_space<hbm>>
      tpu.wait_dma2 semaphore(%run_scoped3A : memref<!tpu.dma_semaphore, #tpu.memory_space<semaphore_mem>>) src(%dma_wait3A_461 : memref<50x128xi32, #tpu.memory_space<hbm>>) dst(%arg5 : memref<50x128xi32, #tpu.memory_space<vmem>>)
      tpu.yield
    }) : () -> ()
    %dma_start3A = arith.constant 0 : i32
    %dma_start3A_3 = arith.constant 0 : i32
    %dma_start3A_4 = arith.constant 0 : i32
    %dma_start3A_5 = arith.constant 0 : i32
    %dma_start3A_6 = tpu.memref_slice %arg6[%dma_start3A_3, %dma_start3A_4, %dma_start3A_5] : memref<6x128x128xf32, #tpu.memory_space<vmem>> -> memref<1x128x128xf32, #tpu.memory_space<vmem>>
    %dma_start3A_7 = tpu.memref_squeeze %dma_start3A_6 : memref<1x128x128xf32, #tpu.memory_space<vmem>> -> memref<128x128xf32, #tpu.memory_space<vmem>>
    %dma_start3A_8 = arith.constant 0 : i32
    %dma_start3A_9 = tpu.memref_slice %arg5[%dma_start3A, %dma_start3A_8] : memref<50x128xi32, #tpu.memory_space<vmem>> -> memref<1x128xi32, #tpu.memory_space<vmem>>
    %dma_start3A_10 = tpu.memref_squeeze %dma_start3A_9 : memref<1x128xi32, #tpu.memory_space<vmem>> -> memref<128xi32, #tpu.memory_space<vmem>>
    %dma_start3A_11 = arith.constant 0 : i32
    %dma_start3A_12 = arith.constant 0 : i32
    %dma_start3A_13 = tpu.memref_slice %arg2[%dma_start3A_11, %dma_start3A_12] : memref<100001x128xf32, #tpu.memory_space<hbm>> -> memref<100001x128xf32, #tpu.memory_space<hbm>>
    tpu.enqueue_indirect_dma source(%dma_start3A_13 : memref<100001x128xf32, #tpu.memory_space<hbm>>) target(%dma_start3A_7 : memref<128x128xf32, #tpu.memory_space<vmem>>) offsets(%dma_start3A_10 : memref<128xi32, #tpu.memory_space<vmem>>) semaphore(%arg7 : memref<!tpu.dma_semaphore, #tpu.memory_space<semaphore_mem>>)
    %dma_start3A_14 = arith.constant 1 : i32
    %dma_start3A_15 = arith.constant 1 : i32
    %dma_start3A_16 = arith.constant 0 : i32
    %dma_start3A_17 = arith.constant 0 : i32
    %dma_start3A_18 = tpu.memref_slice %arg6[%dma_start3A_15, %dma_start3A_16, %dma_start3A_17] : memref<6x128x128xf32, #tpu.memory_space<vmem>> -> memref<1x128x128xf32, #tpu.memory_space<vmem>>
    %dma_start3A_19 = tpu.memref_squeeze %dma_start3A_18 : memref<1x128x128xf32, #tpu.memory_space<vmem>> -> memref<128x128xf32, #tpu.memory_space<vmem>>
    %dma_start3A_20 = arith.constant 0 : i32
    %dma_start3A_21 = tpu.memref_slice %arg5[%dma_start3A_14, %dma_start3A_20] : memref<50x128xi32, #tpu.memory_space<vmem>> -> memref<1x128xi32, #tpu.memory_space<vmem>>
    %dma_start3A_22 = tpu.memref_squeeze %dma_start3A_21 : memref<1x128xi32, #tpu.memory_space<vmem>> -> memref<128xi32, #tpu.memory_space<vmem>>
    %dma_start3A_23 = arith.constant 0 : i32
    %dma_start3A_24 = arith.constant 0 : i32
    %dma_start3A_25 = tpu.memref_slice %arg2[%dma_start3A_23, %dma_start3A_24] : memref<100001x128xf32, #tpu.memory_space<hbm>> -> memref<100001x128xf32, #tpu.memory_space<hbm>>
    tpu.enqueue_indirect_dma source(%dma_start3A_25 : memref<100001x128xf32, #tpu.memory_space<hbm>>) target(%dma_start3A_19 : memref<128x128xf32, #tpu.memory_space<vmem>>) offsets(%dma_start3A_22 : memref<128xi32, #tpu.memory_space<vmem>>) semaphore(%arg8 : memref<!tpu.dma_semaphore, #tpu.memory_space<semaphore_mem>>)
    %dma_start3A_26 = arith.constant 2 : i32
    %dma_start3A_27 = arith.constant 2 : i32
    %dma_start3A_28 = arith.constant 0 : i32
    %dma_start3A_29 = arith.constant 0 : i32
    %dma_start3A_30 = tpu.memref_slice %arg6[%dma_start3A_27, %dma_start3A_28, %dma_start3A_29] : memref<6x128x128xf32, #tpu.memory_space<vmem>> -> memref<1x128x128xf32, #tpu.memory_space<vmem>>
    %dma_start3A_31 = tpu.memref_squeeze %dma_start3A_30 : memref<1x128x128xf32, #tpu.memory_space<vmem>> -> memref<128x128xf32, #tpu.memory_space<vmem>>
    %dma_start3A_32 = arith.constant 0 : i32
    %dma_start3A_33 = tpu.memref_slice %arg5[%dma_start3A_26, %dma_start3A_32] : memref<50x128xi32, #tpu.memory_space<vmem>> -> memref<1x128xi32, #tpu.memory_space<vmem>>
    %dma_start3A_34 = tpu.memref_squeeze %dma_start3A_33 : memref<1x128xi32, #tpu.memory_space<vmem>> -> memref<128xi32, #tpu.memory_space<vmem>>
    %dma_start3A_35 = arith.constant 0 : i32
    %dma_start3A_36 = arith.constant 0 : i32
    %dma_start3A_37 = tpu.memref_slice %arg2[%dma_start3A_35, %dma_start3A_36] : memref<100001x128xf32, #tpu.memory_space<hbm>> -> memref<100001x128xf32, #tpu.memory_space<hbm>>
    tpu.enqueue_indirect_dma source(%dma_start3A_37 : memref<100001x128xf32, #tpu.memory_space<hbm>>) target(%dma_start3A_31 : memref<128x128xf32, #tpu.memory_space<vmem>>) offsets(%dma_start3A_34 : memref<128xi32, #tpu.memory_space<vmem>>) semaphore(%arg9 : memref<!tpu.dma_semaphore, #tpu.memory_space<semaphore_mem>>)
    %dma_start3A_38 = arith.constant 3 : i32
    %dma_start3A_39 = arith.constant 3 : i32
    %dma_start3A_40 = arith.constant 0 : i32
    %dma_start3A_41 = arith.constant 0 : i32
    %dma_start3A_42 = tpu.memref_slice %arg6[%dma_start3A_39, %dma_start3A_40, %dma_start3A_41] : memref<6x128x128xf32, #tpu.memory_space<vmem>> -> memref<1x128x128xf32, #tpu.memory_space<vmem>>
    %dma_start3A_43 = tpu.memref_squeeze %dma_start3A_42 : memref<1x128x128xf32, #tpu.memory_space<vmem>> -> memref<128x128xf32, #tpu.memory_space<vmem>>
    %dma_start3A_44 = arith.constant 0 : i32
    %dma_start3A_45 = tpu.memref_slice %arg5[%dma_start3A_38, %dma_start3A_44] : memref<50x128xi32, #tpu.memory_space<vmem>> -> memref<1x128xi32, #tpu.memory_space<vmem>>
    %dma_start3A_46 = tpu.memref_squeeze %dma_start3A_45 : memref<1x128xi32, #tpu.memory_space<vmem>> -> memref<128xi32, #tpu.memory_space<vmem>>
    %dma_start3A_47 = arith.constant 0 : i32
    %dma_start3A_48 = arith.constant 0 : i32
    %dma_start3A_49 = tpu.memref_slice %arg2[%dma_start3A_47, %dma_start3A_48] : memref<100001x128xf32, #tpu.memory_space<hbm>> -> memref<100001x128xf32, #tpu.memory_space<hbm>>
    tpu.enqueue_indirect_dma source(%dma_start3A_49 : memref<100001x128xf32, #tpu.memory_space<hbm>>) target(%dma_start3A_43 : memref<128x128xf32, #tpu.memory_space<vmem>>) offsets(%dma_start3A_46 : memref<128xi32, #tpu.memory_space<vmem>>) semaphore(%arg10 : memref<!tpu.dma_semaphore, #tpu.memory_space<semaphore_mem>>)
    %dma_start3A_50 = arith.constant 4 : i32
    %dma_start3A_51 = arith.constant 4 : i32
    %dma_start3A_52 = arith.constant 0 : i32
    %dma_start3A_53 = arith.constant 0 : i32
    %dma_start3A_54 = tpu.memref_slice %arg6[%dma_start3A_51, %dma_start3A_52, %dma_start3A_53] : memref<6x128x128xf32, #tpu.memory_space<vmem>> -> memref<1x128x128xf32, #tpu.memory_space<vmem>>
    %dma_start3A_55 = tpu.memref_squeeze %dma_start3A_54 : memref<1x128x128xf32, #tpu.memory_space<vmem>> -> memref<128x128xf32, #tpu.memory_space<vmem>>
    %dma_start3A_56 = arith.constant 0 : i32
    %dma_start3A_57 = tpu.memref_slice %arg5[%dma_start3A_50, %dma_start3A_56] : memref<50x128xi32, #tpu.memory_space<vmem>> -> memref<1x128xi32, #tpu.memory_space<vmem>>
    %dma_start3A_58 = tpu.memref_squeeze %dma_start3A_57 : memref<1x128xi32, #tpu.memory_space<vmem>> -> memref<128xi32, #tpu.memory_space<vmem>>
    %dma_start3A_59 = arith.constant 0 : i32
    %dma_start3A_60 = arith.constant 0 : i32
    %dma_start3A_61 = tpu.memref_slice %arg2[%dma_start3A_59, %dma_start3A_60] : memref<100001x128xf32, #tpu.memory_space<hbm>> -> memref<100001x128xf32, #tpu.memory_space<hbm>>
    tpu.enqueue_indirect_dma source(%dma_start3A_61 : memref<100001x128xf32, #tpu.memory_space<hbm>>) target(%dma_start3A_55 : memref<128x128xf32, #tpu.memory_space<vmem>>) offsets(%dma_start3A_58 : memref<128xi32, #tpu.memory_space<vmem>>) semaphore(%arg11 : memref<!tpu.dma_semaphore, #tpu.memory_space<semaphore_mem>>)
    %dma_wait3A = arith.constant 0 : i32
    %dma_wait3A_62 = arith.constant 0 : i32
    %dma_wait3A_63 = arith.constant 0 : i32
    %dma_wait3A_64 = arith.constant 0 : i32
    %dma_wait3A_65 = tpu.memref_slice %arg6[%dma_wait3A_62, %dma_wait3A_63, %dma_wait3A_64] : memref<6x128x128xf32, #tpu.memory_space<vmem>> -> memref<1x128x128xf32, #tpu.memory_space<vmem>>
    %dma_wait3A_66 = tpu.memref_squeeze %dma_wait3A_65 : memref<1x128x128xf32, #tpu.memory_space<vmem>> -> memref<128x128xf32, #tpu.memory_space<vmem>>
    %dma_wait3A_67 = arith.constant 0 : i32
    %dma_wait3A_68 = tpu.memref_slice %arg5[%dma_wait3A, %dma_wait3A_67] : memref<50x128xi32, #tpu.memory_space<vmem>> -> memref<1x128xi32, #tpu.memory_space<vmem>>
    %dma_wait3A_69 = tpu.memref_squeeze %dma_wait3A_68 : memref<1x128xi32, #tpu.memory_space<vmem>> -> memref<128xi32, #tpu.memory_space<vmem>>
    %dma_wait3A_70 = arith.constant 0 : i32
    %dma_wait3A_71 = arith.constant 0 : i32
    %dma_wait3A_72 = tpu.memref_slice %arg2[%dma_wait3A_70, %dma_wait3A_71] : memref<100001x128xf32, #tpu.memory_space<hbm>> -> memref<100001x128xf32, #tpu.memory_space<hbm>>
    tpu.wait_indirect_dma semaphore(%arg7 : memref<!tpu.dma_semaphore, #tpu.memory_space<semaphore_mem>>) src(%dma_wait3A_72 : memref<100001x128xf32, #tpu.memory_space<hbm>>) dst(%dma_wait3A_66 : memref<128x128xf32, #tpu.memory_space<vmem>>)
    %dma_start3A_73 = arith.constant 0 : i32
    %dma_start3A_74 = arith.constant 0 : i32
    %dma_start3A_75 = arith.constant 0 : i32
    %dma_start3A_76 = arith.constant 0 : i32
    %dma_start3A_77 = tpu.memref_slice %arg6[%dma_start3A_73, %dma_start3A_75, %dma_start3A_76] : memref<6x128x128xf32, #tpu.memory_space<vmem>> -> memref<1x128x128xf32, #tpu.memory_space<vmem>>
    %dma_start3A_78 = tpu.memref_squeeze %dma_start3A_77 : memref<1x128x128xf32, #tpu.memory_space<vmem>> -> memref<128x128xf32, #tpu.memory_space<vmem>>
    %dma_start3A_79 = arith.constant 0 : i32
    %dma_start3A_80 = tpu.memref_slice %arg4[%dma_start3A_74, %mul3A_2, %dma_start3A_79] : memref<50x4096x128xf32, #tpu.memory_space<hbm>> -> memref<1x128x128xf32, #tpu.memory_space<hbm>>
    %dma_start3A_81 = tpu.memref_squeeze %dma_start3A_80 : memref<1x128x128xf32, #tpu.memory_space<hbm>> -> memref<128x128xf32, #tpu.memory_space<hbm>>
    %dma_start3A_82 = arith.constant 0 : i32
    %dma_start3A_83 = tpu.memref_slice %arg4[%dma_start3A_74, %mul3A_2, %dma_start3A_82] : memref<50x4096x128xf32, #tpu.memory_space<hbm>> -> memref<1x128x128xf32, #tpu.memory_space<hbm>>
    %dma_start3A_84 = tpu.memref_squeeze %dma_start3A_83 : memref<1x128x128xf32, #tpu.memory_space<hbm>> -> memref<128x128xf32, #tpu.memory_space<hbm>>
    %dma_start3A_85 = arith.constant 0 : i32
    %dma_start3A_86 = arith.constant 0 : i32
    %dma_start3A_87 = tpu.memref_slice %arg6[%dma_start3A_73, %dma_start3A_85, %dma_start3A_86] : memref<6x128x128xf32, #tpu.memory_space<vmem>> -> memref<1x128x128xf32, #tpu.memory_space<vmem>>
    %dma_start3A_88 = tpu.memref_squeeze %dma_start3A_87 : memref<1x128x128xf32, #tpu.memory_space<vmem>> -> memref<128x128xf32, #tpu.memory_space<vmem>>
    tpu.enqueue_dma source(%dma_start3A_88 : memref<128x128xf32, #tpu.memory_space<vmem>>) target(%dma_start3A_84 : memref<128x128xf32, #tpu.memory_space<hbm>>) target_semaphore(%arg13 : memref<!tpu.dma_semaphore, #tpu.memory_space<semaphore_mem>>)
    %dma_start3A_89 = arith.constant 5 : i32
    %dma_start3A_90 = arith.constant 5 : i32
    %dma_start3A_91 = arith.constant 0 : i32
    %dma_start3A_92 = arith.constant 0 : i32
    %dma_start3A_93 = tpu.memref_slice %arg6[%dma_start3A_90, %dma_start3A_91, %dma_start3A_92] : memref<6x128x128xf32, #tpu.memory_space<vmem>> -> memref<1x128x128xf32, #tpu.memory_space<vmem>>
    %dma_start3A_94 = tpu.memref_squeeze %dma_start3A_93 : memref<1x128x128xf32, #tpu.memory_space<vmem>> -> memref<128x128xf32, #tpu.memory_space<vmem>>
    %dma_start3A_95 = arith.constant 0 : i32
    %dma_start3A_96 = tpu.memref_slice %arg5[%dma_start3A_89, %dma_start3A_95] : memref<50x128xi32, #tpu.memory_space<vmem>> -> memref<1x128xi32, #tpu.memory_space<vmem>>
    %dma_start3A_97 = tpu.memref_squeeze %dma_start3A_96 : memref<1x128xi32, #tpu.memory_space<vmem>> -> memref<128xi32, #tpu.memory_space<vmem>>
    %dma_start3A_98 = arith.constant 0 : i32
    %dma_start3A_99 = arith.constant 0 : i32
    %dma_start3A_100 = tpu.memref_slice %arg2[%dma_start3A_98, %dma_start3A_99] : memref<100001x128xf32, #tpu.memory_space<hbm>> -> memref<100001x128xf32, #tpu.memory_space<hbm>>
    tpu.enqueue_indirect_dma source(%dma_start3A_100 : memref<100001x128xf32, #tpu.memory_space<hbm>>) target(%dma_start3A_94 : memref<128x128xf32, #tpu.memory_space<vmem>>) offsets(%dma_start3A_97 : memref<128xi32, #tpu.memory_space<vmem>>) semaphore(%arg12 : memref<!tpu.dma_semaphore, #tpu.memory_space<semaphore_mem>>)
    %dma_wait3A_101 = arith.constant 1 : i32
    %dma_wait3A_102 = arith.constant 1 : i32
    %dma_wait3A_103 = arith.constant 0 : i32
    %dma_wait3A_104 = arith.constant 0 : i32
    %dma_wait3A_105 = tpu.memref_slice %arg6[%dma_wait3A_102, %dma_wait3A_103, %dma_wait3A_104] : memref<6x128x128xf32, #tpu.memory_space<vmem>> -> memref<1x128x128xf32, #tpu.memory_space<vmem>>
    %dma_wait3A_106 = tpu.memref_squeeze %dma_wait3A_105 : memref<1x128x128xf32, #tpu.memory_space<vmem>> -> memref<128x128xf32, #tpu.memory_space<vmem>>
    %dma_wait3A_107 = arith.constant 0 : i32
    %dma_wait3A_108 = tpu.memref_slice %arg5[%dma_wait3A_101, %dma_wait3A_107] : memref<50x128xi32, #tpu.memory_space<vmem>> -> memref<1x128xi32, #tpu.memory_space<vmem>>
    %dma_wait3A_109 = tpu.memref_squeeze %dma_wait3A_108 : memref<1x128xi32, #tpu.memory_space<vmem>> -> memref<128xi32, #tpu.memory_space<vmem>>
    %dma_wait3A_110 = arith.constant 0 : i32
    %dma_wait3A_111 = arith.constant 0 : i32
    %dma_wait3A_112 = tpu.memref_slice %arg2[%dma_wait3A_110, %dma_wait3A_111] : memref<100001x128xf32, #tpu.memory_space<hbm>> -> memref<100001x128xf32, #tpu.memory_space<hbm>>
    tpu.wait_indirect_dma semaphore(%arg8 : memref<!tpu.dma_semaphore, #tpu.memory_space<semaphore_mem>>) src(%dma_wait3A_112 : memref<100001x128xf32, #tpu.memory_space<hbm>>) dst(%dma_wait3A_106 : memref<128x128xf32, #tpu.memory_space<vmem>>)
    %dma_start3A_113 = arith.constant 1 : i32
    %dma_start3A_114 = arith.constant 1 : i32
    %dma_start3A_115 = arith.constant 0 : i32
    %dma_start3A_116 = arith.constant 0 : i32
    %dma_start3A_117 = tpu.memref_slice %arg6[%dma_start3A_113, %dma_start3A_115, %dma_start3A_116] : memref<6x128x128xf32, #tpu.memory_space<vmem>> -> memref<1x128x128xf32, #tpu.memory_space<vmem>>
    %dma_start3A_118 = tpu.memref_squeeze %dma_start3A_117 : memref<1x128x128xf32, #tpu.memory_space<vmem>> -> memref<128x128xf32, #tpu.memory_space<vmem>>
    %dma_start3A_119 = arith.constant 0 : i32
    %dma_start3A_120 = tpu.memref_slice %arg4[%dma_start3A_114, %mul3A_2, %dma_start3A_119] : memref<50x4096x128xf32, #tpu.memory_space<hbm>> -> memref<1x128x128xf32, #tpu.memory_space<hbm>>
    %dma_start3A_121 = tpu.memref_squeeze %dma_start3A_120 : memref<1x128x128xf32, #tpu.memory_space<hbm>> -> memref<128x128xf32, #tpu.memory_space<hbm>>
    %dma_start3A_122 = arith.constant 0 : i32
    %dma_start3A_123 = tpu.memref_slice %arg4[%dma_start3A_114, %mul3A_2, %dma_start3A_122] : memref<50x4096x128xf32, #tpu.memory_space<hbm>> -> memref<1x128x128xf32, #tpu.memory_space<hbm>>
    %dma_start3A_124 = tpu.memref_squeeze %dma_start3A_123 : memref<1x128x128xf32, #tpu.memory_space<hbm>> -> memref<128x128xf32, #tpu.memory_space<hbm>>
    %dma_start3A_125 = arith.constant 0 : i32
    %dma_start3A_126 = arith.constant 0 : i32
    %dma_start3A_127 = tpu.memref_slice %arg6[%dma_start3A_113, %dma_start3A_125, %dma_start3A_126] : memref<6x128x128xf32, #tpu.memory_space<vmem>> -> memref<1x128x128xf32, #tpu.memory_space<vmem>>
    %dma_start3A_128 = tpu.memref_squeeze %dma_start3A_127 : memref<1x128x128xf32, #tpu.memory_space<vmem>> -> memref<128x128xf32, #tpu.memory_space<vmem>>
    tpu.enqueue_dma source(%dma_start3A_128 : memref<128x128xf32, #tpu.memory_space<vmem>>) target(%dma_start3A_124 : memref<128x128xf32, #tpu.memory_space<hbm>>) target_semaphore(%arg14 : memref<!tpu.dma_semaphore, #tpu.memory_space<semaphore_mem>>)
    %scan3A = arith.constant 0 : i32
    %scan3A_129 = arith.constant 0 : i32
    %scan3A_130 = arith.constant 7 : i32
    %scan3A_131 = arith.addi %scan3A_129, %scan3A_130 : i32
    %scan3A_132 = arith.constant 1 : i32
    scf.for %scan3A_454 = %scan3A_129 to %scan3A_131 step %scan3A_132  : i32 {
      %mul3A_455 = arith.constant 6 : i32
      %mul3A_456 = arith.muli %scan3A_454, %mul3A_455 : i32
      %add3A_457 = arith.constant 2 : i32
      %add3A_458 = arith.addi %add3A_457, %mul3A_456 : i32
      %add3A_459 = arith.constant 0 : i32
      %add3A_460 = arith.addi %add3A_458, %add3A_459 : i32
      %sub3A = arith.constant 2 : i32
      %sub3A_461 = arith.subi %add3A_460, %sub3A : i32
      %dma_wait3A_462 = arith.constant 0 : i32
      %dma_wait3A_463 = arith.constant 0 : i32
      %dma_wait3A_464 = arith.constant 0 : i32
      %dma_wait3A_465 = tpu.memref_slice %arg6[%dma_wait3A_462, %dma_wait3A_463, %dma_wait3A_464] : memref<6x128x128xf32, #tpu.memory_space<vmem>> -> memref<1x128x128xf32, #tpu.memory_space<vmem>>
      %dma_wait3A_466 = tpu.memref_squeeze %dma_wait3A_465 : memref<1x128x128xf32, #tpu.memory_space<vmem>> -> memref<128x128xf32, #tpu.memory_space<vmem>>
      %dma_wait3A_467 = arith.constant 0 : i32
      %dma_wait3A_468 = tpu.memref_slice %arg4[%sub3A_461, %mul3A_2, %dma_wait3A_467] : memref<50x4096x128xf32, #tpu.memory_space<hbm>> -> memref<1x128x128xf32, #tpu.memory_space<hbm>>
      %dma_wait3A_469 = tpu.memref_squeeze %dma_wait3A_468 : memref<1x128x128xf32, #tpu.memory_space<hbm>> -> memref<128x128xf32, #tpu.memory_space<hbm>>
      %dma_wait3A_470 = arith.constant 0 : i32
      %dma_wait3A_471 = tpu.memref_slice %arg4[%sub3A_461, %mul3A_2, %dma_wait3A_470] : memref<50x4096x128xf32, #tpu.memory_space<hbm>> -> memref<1x128x128xf32, #tpu.memory_space<hbm>>
      %dma_wait3A_472 = tpu.memref_squeeze %dma_wait3A_471 : memref<1x128x128xf32, #tpu.memory_space<hbm>> -> memref<128x128xf32, #tpu.memory_space<hbm>>
      %dma_wait3A_473 = arith.constant 0 : i32
      %dma_wait3A_474 = arith.constant 0 : i32
      %dma_wait3A_475 = tpu.memref_slice %arg6[%dma_wait3A_462, %dma_wait3A_473, %dma_wait3A_474] : memref<6x128x128xf32, #tpu.memory_space<vmem>> -> memref<1x128x128xf32, #tpu.memory_space<vmem>>
      %dma_wait3A_476 = tpu.memref_squeeze %dma_wait3A_475 : memref<1x128x128xf32, #tpu.memory_space<vmem>> -> memref<128x128xf32, #tpu.memory_space<vmem>>
      tpu.wait_dma2 semaphore(%arg13 : memref<!tpu.dma_semaphore, #tpu.memory_space<semaphore_mem>>) src(%dma_wait3A_476 : memref<128x128xf32, #tpu.memory_space<vmem>>) dst(%dma_wait3A_472 : memref<128x128xf32, #tpu.memory_space<hbm>>)
      %add3A_477 = arith.constant 4 : i32
      %add3A_478 = arith.addi %add3A_460, %add3A_477 : i32
      %dma_start3A_479 = arith.constant 0 : i32
      %dma_start3A_480 = arith.constant 0 : i32
      %dma_start3A_481 = arith.constant 0 : i32
      %dma_start3A_482 = tpu.memref_slice %arg6[%dma_start3A_479, %dma_start3A_480, %dma_start3A_481] : memref<6x128x128xf32, #tpu.memory_space<vmem>> -> memref<1x128x128xf32, #tpu.memory_space<vmem>>
      %dma_start3A_483 = tpu.memref_squeeze %dma_start3A_482 : memref<1x128x128xf32, #tpu.memory_space<vmem>> -> memref<128x128xf32, #tpu.memory_space<vmem>>
      %dma_start3A_484 = arith.constant 0 : i32
      %dma_start3A_485 = tpu.memref_slice %arg5[%add3A_478, %dma_start3A_484] : memref<50x128xi32, #tpu.memory_space<vmem>> -> memref<1x128xi32, #tpu.memory_space<vmem>>
      %dma_start3A_486 = tpu.memref_squeeze %dma_start3A_485 : memref<1x128xi32, #tpu.memory_space<vmem>> -> memref<128xi32, #tpu.memory_space<vmem>>
      %dma_start3A_487 = arith.constant 0 : i32
      %dma_start3A_488 = arith.constant 0 : i32
      %dma_start3A_489 = tpu.memref_slice %arg2[%dma_start3A_487, %dma_start3A_488] : memref<100001x128xf32, #tpu.memory_space<hbm>> -> memref<100001x128xf32, #tpu.memory_space<hbm>>
      tpu.enqueue_indirect_dma source(%dma_start3A_489 : memref<100001x128xf32, #tpu.memory_space<hbm>>) target(%dma_start3A_483 : memref<128x128xf32, #tpu.memory_space<vmem>>) offsets(%dma_start3A_486 : memref<128xi32, #tpu.memory_space<vmem>>) semaphore(%arg7 : memref<!tpu.dma_semaphore, #tpu.memory_space<semaphore_mem>>)
      %dma_wait3A_490 = arith.constant 2 : i32
      %dma_wait3A_491 = arith.constant 0 : i32
      %dma_wait3A_492 = arith.constant 0 : i32
      %dma_wait3A_493 = tpu.memref_slice %arg6[%dma_wait3A_490, %dma_wait3A_491, %dma_wait3A_492] : memref<6x128x128xf32, #tpu.memory_space<vmem>> -> memref<1x128x128xf32, #tpu.memory_space<vmem>>
      %dma_wait3A_494 = tpu.memref_squeeze %dma_wait3A_493 : memref<1x128x128xf32, #tpu.memory_space<vmem>> -> memref<128x128xf32, #tpu.memory_space<vmem>>
      %dma_wait3A_495 = arith.constant 0 : i32
      %dma_wait3A_496 = tpu.memref_slice %arg5[%add3A_460, %dma_wait3A_495] : memref<50x128xi32, #tpu.memory_space<vmem>> -> memref<1x128xi32, #tpu.memory_space<vmem>>
      %dma_wait3A_497 = tpu.memref_squeeze %dma_wait3A_496 : memref<1x128xi32, #tpu.memory_space<vmem>> -> memref<128xi32, #tpu.memory_space<vmem>>
      %dma_wait3A_498 = arith.constant 0 : i32
      %dma_wait3A_499 = arith.constant 0 : i32
      %dma_wait3A_500 = tpu.memref_slice %arg2[%dma_wait3A_498, %dma_wait3A_499] : memref<100001x128xf32, #tpu.memory_space<hbm>> -> memref<100001x128xf32, #tpu.memory_space<hbm>>
      tpu.wait_indirect_dma semaphore(%arg9 : memref<!tpu.dma_semaphore, #tpu.memory_space<semaphore_mem>>) src(%dma_wait3A_500 : memref<100001x128xf32, #tpu.memory_space<hbm>>) dst(%dma_wait3A_494 : memref<128x128xf32, #tpu.memory_space<vmem>>)
      %dma_start3A_501 = arith.constant 2 : i32
      %dma_start3A_502 = arith.constant 0 : i32
      %dma_start3A_503 = arith.constant 0 : i32
      %dma_start3A_504 = tpu.memref_slice %arg6[%dma_start3A_501, %dma_start3A_502, %dma_start3A_503] : memref<6x128x128xf32, #tpu.memory_space<vmem>> -> memref<1x128x128xf32, #tpu.memory_space<vmem>>
      %dma_start3A_505 = tpu.memref_squeeze %dma_start3A_504 : memref<1x128x128xf32, #tpu.memory_space<vmem>> -> memref<128x128xf32, #tpu.memory_space<vmem>>
      %dma_start3A_506 = arith.constant 0 : i32
      %dma_start3A_507 = tpu.memref_slice %arg4[%add3A_460, %mul3A_2, %dma_start3A_506] : memref<50x4096x128xf32, #tpu.memory_space<hbm>> -> memref<1x128x128xf32, #tpu.memory_space<hbm>>
      %dma_start3A_508 = tpu.memref_squeeze %dma_start3A_507 : memref<1x128x128xf32, #tpu.memory_space<hbm>> -> memref<128x128xf32, #tpu.memory_space<hbm>>
      %dma_start3A_509 = arith.constant 0 : i32
      %dma_start3A_510 = tpu.memref_slice %arg4[%add3A_460, %mul3A_2, %dma_start3A_509] : memref<50x4096x128xf32, #tpu.memory_space<hbm>> -> memref<1x128x128xf32, #tpu.memory_space<hbm>>
      %dma_start3A_511 = tpu.memref_squeeze %dma_start3A_510 : memref<1x128x128xf32, #tpu.memory_space<hbm>> -> memref<128x128xf32, #tpu.memory_space<hbm>>
      %dma_start3A_512 = arith.constant 0 : i32
      %dma_start3A_513 = arith.constant 0 : i32
      %dma_start3A_514 = tpu.memref_slice %arg6[%dma_start3A_501, %dma_start3A_512, %dma_start3A_513] : memref<6x128x128xf32, #tpu.memory_space<vmem>> -> memref<1x128x128xf32, #tpu.memory_space<vmem>>
      %dma_start3A_515 = tpu.memref_squeeze %dma_start3A_514 : memref<1x128x128xf32, #tpu.memory_space<vmem>> -> memref<128x128xf32, #tpu.memory_space<vmem>>
      tpu.enqueue_dma source(%dma_start3A_515 : memref<128x128xf32, #tpu.memory_space<vmem>>) target(%dma_start3A_511 : memref<128x128xf32, #tpu.memory_space<hbm>>) target_semaphore(%arg15 : memref<!tpu.dma_semaphore, #tpu.memory_space<semaphore_mem>>)
      %add3A_516 = arith.constant 1 : i32
      %add3A_517 = arith.addi %add3A_458, %add3A_516 : i32
      %sub3A_518 = arith.constant 2 : i32
      %sub3A_519 = arith.subi %add3A_517, %sub3A_518 : i32
      %dma_wait3A_520 = arith.constant 1 : i32
      %dma_wait3A_521 = arith.constant 0 : i32
      %dma_wait3A_522 = arith.constant 0 : i32
      %dma_wait3A_523 = tpu.memref_slice %arg6[%dma_wait3A_520, %dma_wait3A_521, %dma_wait3A_522] : memref<6x128x128xf32, #tpu.memory_space<vmem>> -> memref<1x128x128xf32, #tpu.memory_space<vmem>>
      %dma_wait3A_524 = tpu.memref_squeeze %dma_wait3A_523 : memref<1x128x128xf32, #tpu.memory_space<vmem>> -> memref<128x128xf32, #tpu.memory_space<vmem>>
      %dma_wait3A_525 = arith.constant 0 : i32
      %dma_wait3A_526 = tpu.memref_slice %arg4[%sub3A_519, %mul3A_2, %dma_wait3A_525] : memref<50x4096x128xf32, #tpu.memory_space<hbm>> -> memref<1x128x128xf32, #tpu.memory_space<hbm>>
      %dma_wait3A_527 = tpu.memref_squeeze %dma_wait3A_526 : memref<1x128x128xf32, #tpu.memory_space<hbm>> -> memref<128x128xf32, #tpu.memory_space<hbm>>
      %dma_wait3A_528 = arith.constant 0 : i32
      %dma_wait3A_529 = tpu.memref_slice %arg4[%sub3A_519, %mul3A_2, %dma_wait3A_528] : memref<50x4096x128xf32, #tpu.memory_space<hbm>> -> memref<1x128x128xf32, #tpu.memory_space<hbm>>
      %dma_wait3A_530 = tpu.memref_squeeze %dma_wait3A_529 : memref<1x128x128xf32, #tpu.memory_space<hbm>> -> memref<128x128xf32, #tpu.memory_space<hbm>>
      %dma_wait3A_531 = arith.constant 0 : i32
      %dma_wait3A_532 = arith.constant 0 : i32
      %dma_wait3A_533 = tpu.memref_slice %arg6[%dma_wait3A_520, %dma_wait3A_531, %dma_wait3A_532] : memref<6x128x128xf32, #tpu.memory_space<vmem>> -> memref<1x128x128xf32, #tpu.memory_space<vmem>>
      %dma_wait3A_534 = tpu.memref_squeeze %dma_wait3A_533 : memref<1x128x128xf32, #tpu.memory_space<vmem>> -> memref<128x128xf32, #tpu.memory_space<vmem>>
      tpu.wait_dma2 semaphore(%arg14 : memref<!tpu.dma_semaphore, #tpu.memory_space<semaphore_mem>>) src(%dma_wait3A_534 : memref<128x128xf32, #tpu.memory_space<vmem>>) dst(%dma_wait3A_530 : memref<128x128xf32, #tpu.memory_space<hbm>>)
      %add3A_535 = arith.constant 4 : i32
      %add3A_536 = arith.addi %add3A_517, %add3A_535 : i32
      %dma_start3A_537 = arith.constant 1 : i32
      %dma_start3A_538 = arith.constant 0 : i32
      %dma_start3A_539 = arith.constant 0 : i32
      %dma_start3A_540 = tpu.memref_slice %arg6[%dma_start3A_537, %dma_start3A_538, %dma_start3A_539] : memref<6x128x128xf32, #tpu.memory_space<vmem>> -> memref<1x128x128xf32, #tpu.memory_space<vmem>>
      %dma_start3A_541 = tpu.memref_squeeze %dma_start3A_540 : memref<1x128x128xf32, #tpu.memory_space<vmem>> -> memref<128x128xf32, #tpu.memory_space<vmem>>
      %dma_start3A_542 = arith.constant 0 : i32
      %dma_start3A_543 = tpu.memref_slice %arg5[%add3A_536, %dma_start3A_542] : memref<50x128xi32, #tpu.memory_space<vmem>> -> memref<1x128xi32, #tpu.memory_space<vmem>>
      %dma_start3A_544 = tpu.memref_squeeze %dma_start3A_543 : memref<1x128xi32, #tpu.memory_space<vmem>> -> memref<128xi32, #tpu.memory_space<vmem>>
      %dma_start3A_545 = arith.constant 0 : i32
      %dma_start3A_546 = arith.constant 0 : i32
      %dma_start3A_547 = tpu.memref_slice %arg2[%dma_start3A_545, %dma_start3A_546] : memref<100001x128xf32, #tpu.memory_space<hbm>> -> memref<100001x128xf32, #tpu.memory_space<hbm>>
      tpu.enqueue_indirect_dma source(%dma_start3A_547 : memref<100001x128xf32, #tpu.memory_space<hbm>>) target(%dma_start3A_541 : memref<128x128xf32, #tpu.memory_space<vmem>>) offsets(%dma_start3A_544 : memref<128xi32, #tpu.memory_space<vmem>>) semaphore(%arg8 : memref<!tpu.dma_semaphore, #tpu.memory_space<semaphore_mem>>)
      %dma_wait3A_548 = arith.constant 3 : i32
      %dma_wait3A_549 = arith.constant 0 : i32
      %dma_wait3A_550 = arith.constant 0 : i32
      %dma_wait3A_551 = tpu.memref_slice %arg6[%dma_wait3A_548, %dma_wait3A_549, %dma_wait3A_550] : memref<6x128x128xf32, #tpu.memory_space<vmem>> -> memref<1x128x128xf32, #tpu.memory_space<vmem>>
      %dma_wait3A_552 = tpu.memref_squeeze %dma_wait3A_551 : memref<1x128x128xf32, #tpu.memory_space<vmem>> -> memref<128x128xf32, #tpu.memory_space<vmem>>
      %dma_wait3A_553 = arith.constant 0 : i32
      %dma_wait3A_554 = tpu.memref_slice %arg5[%add3A_517, %dma_wait3A_553] : memref<50x128xi32, #tpu.memory_space<vmem>> -> memref<1x128xi32, #tpu.memory_space<vmem>>
      %dma_wait3A_555 = tpu.memref_squeeze %dma_wait3A_554 : memref<1x128xi32, #tpu.memory_space<vmem>> -> memref<128xi32, #tpu.memory_space<vmem>>
      %dma_wait3A_556 = arith.constant 0 : i32
      %dma_wait3A_557 = arith.constant 0 : i32
      %dma_wait3A_558 = tpu.memref_slice %arg2[%dma_wait3A_556, %dma_wait3A_557] : memref<100001x128xf32, #tpu.memory_space<hbm>> -> memref<100001x128xf32, #tpu.memory_space<hbm>>
      tpu.wait_indirect_dma semaphore(%arg10 : memref<!tpu.dma_semaphore, #tpu.memory_space<semaphore_mem>>) src(%dma_wait3A_558 : memref<100001x128xf32, #tpu.memory_space<hbm>>) dst(%dma_wait3A_552 : memref<128x128xf32, #tpu.memory_space<vmem>>)
      %dma_start3A_559 = arith.constant 3 : i32
      %dma_start3A_560 = arith.constant 0 : i32
      %dma_start3A_561 = arith.constant 0 : i32
      %dma_start3A_562 = tpu.memref_slice %arg6[%dma_start3A_559, %dma_start3A_560, %dma_start3A_561] : memref<6x128x128xf32, #tpu.memory_space<vmem>> -> memref<1x128x128xf32, #tpu.memory_space<vmem>>
      %dma_start3A_563 = tpu.memref_squeeze %dma_start3A_562 : memref<1x128x128xf32, #tpu.memory_space<vmem>> -> memref<128x128xf32, #tpu.memory_space<vmem>>
      %dma_start3A_564 = arith.constant 0 : i32
      %dma_start3A_565 = tpu.memref_slice %arg4[%add3A_517, %mul3A_2, %dma_start3A_564] : memref<50x4096x128xf32, #tpu.memory_space<hbm>> -> memref<1x128x128xf32, #tpu.memory_space<hbm>>
      %dma_start3A_566 = tpu.memref_squeeze %dma_start3A_565 : memref<1x128x128xf32, #tpu.memory_space<hbm>> -> memref<128x128xf32, #tpu.memory_space<hbm>>
      %dma_start3A_567 = arith.constant 0 : i32
      %dma_start3A_568 = tpu.memref_slice %arg4[%add3A_517, %mul3A_2, %dma_start3A_567] : memref<50x4096x128xf32, #tpu.memory_space<hbm>> -> memref<1x128x128xf32, #tpu.memory_space<hbm>>
      %dma_start3A_569 = tpu.memref_squeeze %dma_start3A_568 : memref<1x128x128xf32, #tpu.memory_space<hbm>> -> memref<128x128xf32, #tpu.memory_space<hbm>>
      %dma_start3A_570 = arith.constant 0 : i32
      %dma_start3A_571 = arith.constant 0 : i32
      %dma_start3A_572 = tpu.memref_slice %arg6[%dma_start3A_559, %dma_start3A_570, %dma_start3A_571] : memref<6x128x128xf32, #tpu.memory_space<vmem>> -> memref<1x128x128xf32, #tpu.memory_space<vmem>>
      %dma_start3A_573 = tpu.memref_squeeze %dma_start3A_572 : memref<1x128x128xf32, #tpu.memory_space<vmem>> -> memref<128x128xf32, #tpu.memory_space<vmem>>
      tpu.enqueue_dma source(%dma_start3A_573 : memref<128x128xf32, #tpu.memory_space<vmem>>) target(%dma_start3A_569 : memref<128x128xf32, #tpu.memory_space<hbm>>) target_semaphore(%arg16 : memref<!tpu.dma_semaphore, #tpu.memory_space<semaphore_mem>>)
      %add3A_574 = arith.constant 2 : i32
      %add3A_575 = arith.addi %add3A_458, %add3A_574 : i32
      %sub3A_576 = arith.constant 2 : i32
      %sub3A_577 = arith.subi %add3A_575, %sub3A_576 : i32
      %dma_wait3A_578 = arith.constant 2 : i32
      %dma_wait3A_579 = arith.constant 0 : i32
      %dma_wait3A_580 = arith.constant 0 : i32
      %dma_wait3A_581 = tpu.memref_slice %arg6[%dma_wait3A_578, %dma_wait3A_579, %dma_wait3A_580] : memref<6x128x128xf32, #tpu.memory_space<vmem>> -> memref<1x128x128xf32, #tpu.memory_space<vmem>>
      %dma_wait3A_582 = tpu.memref_squeeze %dma_wait3A_581 : memref<1x128x128xf32, #tpu.memory_space<vmem>> -> memref<128x128xf32, #tpu.memory_space<vmem>>
      %dma_wait3A_583 = arith.constant 0 : i32
      %dma_wait3A_584 = tpu.memref_slice %arg4[%sub3A_577, %mul3A_2, %dma_wait3A_583] : memref<50x4096x128xf32, #tpu.memory_space<hbm>> -> memref<1x128x128xf32, #tpu.memory_space<hbm>>
      %dma_wait3A_585 = tpu.memref_squeeze %dma_wait3A_584 : memref<1x128x128xf32, #tpu.memory_space<hbm>> -> memref<128x128xf32, #tpu.memory_space<hbm>>
      %dma_wait3A_586 = arith.constant 0 : i32
      %dma_wait3A_587 = tpu.memref_slice %arg4[%sub3A_577, %mul3A_2, %dma_wait3A_586] : memref<50x4096x128xf32, #tpu.memory_space<hbm>> -> memref<1x128x128xf32, #tpu.memory_space<hbm>>
      %dma_wait3A_588 = tpu.memref_squeeze %dma_wait3A_587 : memref<1x128x128xf32, #tpu.memory_space<hbm>> -> memref<128x128xf32, #tpu.memory_space<hbm>>
      %dma_wait3A_589 = arith.constant 0 : i32
      %dma_wait3A_590 = arith.constant 0 : i32
      %dma_wait3A_591 = tpu.memref_slice %arg6[%dma_wait3A_578, %dma_wait3A_589, %dma_wait3A_590] : memref<6x128x128xf32, #tpu.memory_space<vmem>> -> memref<1x128x128xf32, #tpu.memory_space<vmem>>
      %dma_wait3A_592 = tpu.memref_squeeze %dma_wait3A_591 : memref<1x128x128xf32, #tpu.memory_space<vmem>> -> memref<128x128xf32, #tpu.memory_space<vmem>>
      tpu.wait_dma2 semaphore(%arg15 : memref<!tpu.dma_semaphore, #tpu.memory_space<semaphore_mem>>) src(%dma_wait3A_592 : memref<128x128xf32, #tpu.memory_space<vmem>>) dst(%dma_wait3A_588 : memref<128x128xf32, #tpu.memory_space<hbm>>)
      %add3A_593 = arith.constant 4 : i32
      %add3A_594 = arith.addi %add3A_575, %add3A_593 : i32
      %dma_start3A_595 = arith.constant 2 : i32
      %dma_start3A_596 = arith.constant 0 : i32
      %dma_start3A_597 = arith.constant 0 : i32
      %dma_start3A_598 = tpu.memref_slice %arg6[%dma_start3A_595, %dma_start3A_596, %dma_start3A_597] : memref<6x128x128xf32, #tpu.memory_space<vmem>> -> memref<1x128x128xf32, #tpu.memory_space<vmem>>
      %dma_start3A_599 = tpu.memref_squeeze %dma_start3A_598 : memref<1x128x128xf32, #tpu.memory_space<vmem>> -> memref<128x128xf32, #tpu.memory_space<vmem>>
      %dma_start3A_600 = arith.constant 0 : i32
      %dma_start3A_601 = tpu.memref_slice %arg5[%add3A_594, %dma_start3A_600] : memref<50x128xi32, #tpu.memory_space<vmem>> -> memref<1x128xi32, #tpu.memory_space<vmem>>
      %dma_start3A_602 = tpu.memref_squeeze %dma_start3A_601 : memref<1x128xi32, #tpu.memory_space<vmem>> -> memref<128xi32, #tpu.memory_space<vmem>>
      %dma_start3A_603 = arith.constant 0 : i32
      %dma_start3A_604 = arith.constant 0 : i32
      %dma_start3A_605 = tpu.memref_slice %arg2[%dma_start3A_603, %dma_start3A_604] : memref<100001x128xf32, #tpu.memory_space<hbm>> -> memref<100001x128xf32, #tpu.memory_space<hbm>>
      tpu.enqueue_indirect_dma source(%dma_start3A_605 : memref<100001x128xf32, #tpu.memory_space<hbm>>) target(%dma_start3A_599 : memref<128x128xf32, #tpu.memory_space<vmem>>) offsets(%dma_start3A_602 : memref<128xi32, #tpu.memory_space<vmem>>) semaphore(%arg9 : memref<!tpu.dma_semaphore, #tpu.memory_space<semaphore_mem>>)
      %dma_wait3A_606 = arith.constant 4 : i32
      %dma_wait3A_607 = arith.constant 0 : i32
      %dma_wait3A_608 = arith.constant 0 : i32
      %dma_wait3A_609 = tpu.memref_slice %arg6[%dma_wait3A_606, %dma_wait3A_607, %dma_wait3A_608] : memref<6x128x128xf32, #tpu.memory_space<vmem>> -> memref<1x128x128xf32, #tpu.memory_space<vmem>>
      %dma_wait3A_610 = tpu.memref_squeeze %dma_wait3A_609 : memref<1x128x128xf32, #tpu.memory_space<vmem>> -> memref<128x128xf32, #tpu.memory_space<vmem>>
      %dma_wait3A_611 = arith.constant 0 : i32
      %dma_wait3A_612 = tpu.memref_slice %arg5[%add3A_575, %dma_wait3A_611] : memref<50x128xi32, #tpu.memory_space<vmem>> -> memref<1x128xi32, #tpu.memory_space<vmem>>
      %dma_wait3A_613 = tpu.memref_squeeze %dma_wait3A_612 : memref<1x128xi32, #tpu.memory_space<vmem>> -> memref<128xi32, #tpu.memory_space<vmem>>
      %dma_wait3A_614 = arith.constant 0 : i32
      %dma_wait3A_615 = arith.constant 0 : i32
      %dma_wait3A_616 = tpu.memref_slice %arg2[%dma_wait3A_614, %dma_wait3A_615] : memref<100001x128xf32, #tpu.memory_space<hbm>> -> memref<100001x128xf32, #tpu.memory_space<hbm>>
      tpu.wait_indirect_dma semaphore(%arg11 : memref<!tpu.dma_semaphore, #tpu.memory_space<semaphore_mem>>) src(%dma_wait3A_616 : memref<100001x128xf32, #tpu.memory_space<hbm>>) dst(%dma_wait3A_610 : memref<128x128xf32, #tpu.memory_space<vmem>>)
      %dma_start3A_617 = arith.constant 4 : i32
      %dma_start3A_618 = arith.constant 0 : i32
      %dma_start3A_619 = arith.constant 0 : i32
      %dma_start3A_620 = tpu.memref_slice %arg6[%dma_start3A_617, %dma_start3A_618, %dma_start3A_619] : memref<6x128x128xf32, #tpu.memory_space<vmem>> -> memref<1x128x128xf32, #tpu.memory_space<vmem>>
      %dma_start3A_621 = tpu.memref_squeeze %dma_start3A_620 : memref<1x128x128xf32, #tpu.memory_space<vmem>> -> memref<128x128xf32, #tpu.memory_space<vmem>>
      %dma_start3A_622 = arith.constant 0 : i32
      %dma_start3A_623 = tpu.memref_slice %arg4[%add3A_575, %mul3A_2, %dma_start3A_622] : memref<50x4096x128xf32, #tpu.memory_space<hbm>> -> memref<1x128x128xf32, #tpu.memory_space<hbm>>
      %dma_start3A_624 = tpu.memref_squeeze %dma_start3A_623 : memref<1x128x128xf32, #tpu.memory_space<hbm>> -> memref<128x128xf32, #tpu.memory_space<hbm>>
      %dma_start3A_625 = arith.constant 0 : i32
      %dma_start3A_626 = tpu.memref_slice %arg4[%add3A_575, %mul3A_2, %dma_start3A_625] : memref<50x4096x128xf32, #tpu.memory_space<hbm>> -> memref<1x128x128xf32, #tpu.memory_space<hbm>>
      %dma_start3A_627 = tpu.memref_squeeze %dma_start3A_626 : memref<1x128x128xf32, #tpu.memory_space<hbm>> -> memref<128x128xf32, #tpu.memory_space<hbm>>
      %dma_start3A_628 = arith.constant 0 : i32
      %dma_start3A_629 = arith.constant 0 : i32
      %dma_start3A_630 = tpu.memref_slice %arg6[%dma_start3A_617, %dma_start3A_628, %dma_start3A_629] : memref<6x128x128xf32, #tpu.memory_space<vmem>> -> memref<1x128x128xf32, #tpu.memory_space<vmem>>
      %dma_start3A_631 = tpu.memref_squeeze %dma_start3A_630 : memref<1x128x128xf32, #tpu.memory_space<vmem>> -> memref<128x128xf32, #tpu.memory_space<vmem>>
      tpu.enqueue_dma source(%dma_start3A_631 : memref<128x128xf32, #tpu.memory_space<vmem>>) target(%dma_start3A_627 : memref<128x128xf32, #tpu.memory_space<hbm>>) target_semaphore(%arg17 : memref<!tpu.dma_semaphore, #tpu.memory_space<semaphore_mem>>)
      %add3A_632 = arith.constant 3 : i32
      %add3A_633 = arith.addi %add3A_458, %add3A_632 : i32
      %sub3A_634 = arith.constant 2 : i32
      %sub3A_635 = arith.subi %add3A_633, %sub3A_634 : i32
      %dma_wait3A_636 = arith.constant 3 : i32
      %dma_wait3A_637 = arith.constant 0 : i32
      %dma_wait3A_638 = arith.constant 0 : i32
      %dma_wait3A_639 = tpu.memref_slice %arg6[%dma_wait3A_636, %dma_wait3A_637, %dma_wait3A_638] : memref<6x128x128xf32, #tpu.memory_space<vmem>> -> memref<1x128x128xf32, #tpu.memory_space<vmem>>
      %dma_wait3A_640 = tpu.memref_squeeze %dma_wait3A_639 : memref<1x128x128xf32, #tpu.memory_space<vmem>> -> memref<128x128xf32, #tpu.memory_space<vmem>>
      %dma_wait3A_641 = arith.constant 0 : i32
      %dma_wait3A_642 = tpu.memref_slice %arg4[%sub3A_635, %mul3A_2, %dma_wait3A_641] : memref<50x4096x128xf32, #tpu.memory_space<hbm>> -> memref<1x128x128xf32, #tpu.memory_space<hbm>>
      %dma_wait3A_643 = tpu.memref_squeeze %dma_wait3A_642 : memref<1x128x128xf32, #tpu.memory_space<hbm>> -> memref<128x128xf32, #tpu.memory_space<hbm>>
      %dma_wait3A_644 = arith.constant 0 : i32
      %dma_wait3A_645 = tpu.memref_slice %arg4[%sub3A_635, %mul3A_2, %dma_wait3A_644] : memref<50x4096x128xf32, #tpu.memory_space<hbm>> -> memref<1x128x128xf32, #tpu.memory_space<hbm>>
      %dma_wait3A_646 = tpu.memref_squeeze %dma_wait3A_645 : memref<1x128x128xf32, #tpu.memory_space<hbm>> -> memref<128x128xf32, #tpu.memory_space<hbm>>
      %dma_wait3A_647 = arith.constant 0 : i32
      %dma_wait3A_648 = arith.constant 0 : i32
      %dma_wait3A_649 = tpu.memref_slice %arg6[%dma_wait3A_636, %dma_wait3A_647, %dma_wait3A_648] : memref<6x128x128xf32, #tpu.memory_space<vmem>> -> memref<1x128x128xf32, #tpu.memory_space<vmem>>
      %dma_wait3A_650 = tpu.memref_squeeze %dma_wait3A_649 : memref<1x128x128xf32, #tpu.memory_space<vmem>> -> memref<128x128xf32, #tpu.memory_space<vmem>>
      tpu.wait_dma2 semaphore(%arg16 : memref<!tpu.dma_semaphore, #tpu.memory_space<semaphore_mem>>) src(%dma_wait3A_650 : memref<128x128xf32, #tpu.memory_space<vmem>>) dst(%dma_wait3A_646 : memref<128x128xf32, #tpu.memory_space<hbm>>)
      %add3A_651 = arith.constant 4 : i32
      %add3A_652 = arith.addi %add3A_633, %add3A_651 : i32
      %dma_start3A_653 = arith.constant 3 : i32
      %dma_start3A_654 = arith.constant 0 : i32
      %dma_start3A_655 = arith.constant 0 : i32
      %dma_start3A_656 = tpu.memref_slice %arg6[%dma_start3A_653, %dma_start3A_654, %dma_start3A_655] : memref<6x128x128xf32, #tpu.memory_space<vmem>> -> memref<1x128x128xf32, #tpu.memory_space<vmem>>
      %dma_start3A_657 = tpu.memref_squeeze %dma_start3A_656 : memref<1x128x128xf32, #tpu.memory_space<vmem>> -> memref<128x128xf32, #tpu.memory_space<vmem>>
      %dma_start3A_658 = arith.constant 0 : i32
      %dma_start3A_659 = tpu.memref_slice %arg5[%add3A_652, %dma_start3A_658] : memref<50x128xi32, #tpu.memory_space<vmem>> -> memref<1x128xi32, #tpu.memory_space<vmem>>
      %dma_start3A_660 = tpu.memref_squeeze %dma_start3A_659 : memref<1x128xi32, #tpu.memory_space<vmem>> -> memref<128xi32, #tpu.memory_space<vmem>>
      %dma_start3A_661 = arith.constant 0 : i32
      %dma_start3A_662 = arith.constant 0 : i32
      %dma_start3A_663 = tpu.memref_slice %arg2[%dma_start3A_661, %dma_start3A_662] : memref<100001x128xf32, #tpu.memory_space<hbm>> -> memref<100001x128xf32, #tpu.memory_space<hbm>>
      tpu.enqueue_indirect_dma source(%dma_start3A_663 : memref<100001x128xf32, #tpu.memory_space<hbm>>) target(%dma_start3A_657 : memref<128x128xf32, #tpu.memory_space<vmem>>) offsets(%dma_start3A_660 : memref<128xi32, #tpu.memory_space<vmem>>) semaphore(%arg10 : memref<!tpu.dma_semaphore, #tpu.memory_space<semaphore_mem>>)
      %dma_wait3A_664 = arith.constant 5 : i32
      %dma_wait3A_665 = arith.constant 0 : i32
      %dma_wait3A_666 = arith.constant 0 : i32
      %dma_wait3A_667 = tpu.memref_slice %arg6[%dma_wait3A_664, %dma_wait3A_665, %dma_wait3A_666] : memref<6x128x128xf32, #tpu.memory_space<vmem>> -> memref<1x128x128xf32, #tpu.memory_space<vmem>>
      %dma_wait3A_668 = tpu.memref_squeeze %dma_wait3A_667 : memref<1x128x128xf32, #tpu.memory_space<vmem>> -> memref<128x128xf32, #tpu.memory_space<vmem>>
      %dma_wait3A_669 = arith.constant 0 : i32
      %dma_wait3A_670 = tpu.memref_slice %arg5[%add3A_633, %dma_wait3A_669] : memref<50x128xi32, #tpu.memory_space<vmem>> -> memref<1x128xi32, #tpu.memory_space<vmem>>
      %dma_wait3A_671 = tpu.memref_squeeze %dma_wait3A_670 : memref<1x128xi32, #tpu.memory_space<vmem>> -> memref<128xi32, #tpu.memory_space<vmem>>
      %dma_wait3A_672 = arith.constant 0 : i32
      %dma_wait3A_673 = arith.constant 0 : i32
      %dma_wait3A_674 = tpu.memref_slice %arg2[%dma_wait3A_672, %dma_wait3A_673] : memref<100001x128xf32, #tpu.memory_space<hbm>> -> memref<100001x128xf32, #tpu.memory_space<hbm>>
      tpu.wait_indirect_dma semaphore(%arg12 : memref<!tpu.dma_semaphore, #tpu.memory_space<semaphore_mem>>) src(%dma_wait3A_674 : memref<100001x128xf32, #tpu.memory_space<hbm>>) dst(%dma_wait3A_668 : memref<128x128xf32, #tpu.memory_space<vmem>>)
      %dma_start3A_675 = arith.constant 5 : i32
      %dma_start3A_676 = arith.constant 0 : i32
      %dma_start3A_677 = arith.constant 0 : i32
      %dma_start3A_678 = tpu.memref_slice %arg6[%dma_start3A_675, %dma_start3A_676, %dma_start3A_677] : memref<6x128x128xf32, #tpu.memory_space<vmem>> -> memref<1x128x128xf32, #tpu.memory_space<vmem>>
      %dma_start3A_679 = tpu.memref_squeeze %dma_start3A_678 : memref<1x128x128xf32, #tpu.memory_space<vmem>> -> memref<128x128xf32, #tpu.memory_space<vmem>>
      %dma_start3A_680 = arith.constant 0 : i32
      %dma_start3A_681 = tpu.memref_slice %arg4[%add3A_633, %mul3A_2, %dma_start3A_680] : memref<50x4096x128xf32, #tpu.memory_space<hbm>> -> memref<1x128x128xf32, #tpu.memory_space<hbm>>
      %dma_start3A_682 = tpu.memref_squeeze %dma_start3A_681 : memref<1x128x128xf32, #tpu.memory_space<hbm>> -> memref<128x128xf32, #tpu.memory_space<hbm>>
      %dma_start3A_683 = arith.constant 0 : i32
      %dma_start3A_684 = tpu.memref_slice %arg4[%add3A_633, %mul3A_2, %dma_start3A_683] : memref<50x4096x128xf32, #tpu.memory_space<hbm>> -> memref<1x128x128xf32, #tpu.memory_space<hbm>>
      %dma_start3A_685 = tpu.memref_squeeze %dma_start3A_684 : memref<1x128x128xf32, #tpu.memory_space<hbm>> -> memref<128x128xf32, #tpu.memory_space<hbm>>
      %dma_start3A_686 = arith.constant 0 : i32
      %dma_start3A_687 = arith.constant 0 : i32
      %dma_start3A_688 = tpu.memref_slice %arg6[%dma_start3A_675, %dma_start3A_686, %dma_start3A_687] : memref<6x128x128xf32, #tpu.memory_space<vmem>> -> memref<1x128x128xf32, #tpu.memory_space<vmem>>
      %dma_start3A_689 = tpu.memref_squeeze %dma_start3A_688 : memref<1x128x128xf32, #tpu.memory_space<vmem>> -> memref<128x128xf32, #tpu.memory_space<vmem>>
      tpu.enqueue_dma source(%dma_start3A_689 : memref<128x128xf32, #tpu.memory_space<vmem>>) target(%dma_start3A_685 : memref<128x128xf32, #tpu.memory_space<hbm>>) target_semaphore(%arg18 : memref<!tpu.dma_semaphore, #tpu.memory_space<semaphore_mem>>)
      %add3A_690 = arith.constant 4 : i32
      %add3A_691 = arith.addi %add3A_458, %add3A_690 : i32
      %sub3A_692 = arith.constant 2 : i32
      %sub3A_693 = arith.subi %add3A_691, %sub3A_692 : i32
      %dma_wait3A_694 = arith.constant 4 : i32
      %dma_wait3A_695 = arith.constant 0 : i32
      %dma_wait3A_696 = arith.constant 0 : i32
      %dma_wait3A_697 = tpu.memref_slice %arg6[%dma_wait3A_694, %dma_wait3A_695, %dma_wait3A_696] : memref<6x128x128xf32, #tpu.memory_space<vmem>> -> memref<1x128x128xf32, #tpu.memory_space<vmem>>
      %dma_wait3A_698 = tpu.memref_squeeze %dma_wait3A_697 : memref<1x128x128xf32, #tpu.memory_space<vmem>> -> memref<128x128xf32, #tpu.memory_space<vmem>>
      %dma_wait3A_699 = arith.constant 0 : i32
      %dma_wait3A_700 = tpu.memref_slice %arg4[%sub3A_693, %mul3A_2, %dma_wait3A_699] : memref<50x4096x128xf32, #tpu.memory_space<hbm>> -> memref<1x128x128xf32, #tpu.memory_space<hbm>>
      %dma_wait3A_701 = tpu.memref_squeeze %dma_wait3A_700 : memref<1x128x128xf32, #tpu.memory_space<hbm>> -> memref<128x128xf32, #tpu.memory_space<hbm>>
      %dma_wait3A_702 = arith.constant 0 : i32
      %dma_wait3A_703 = tpu.memref_slice %arg4[%sub3A_693, %mul3A_2, %dma_wait3A_702] : memref<50x4096x128xf32, #tpu.memory_space<hbm>> -> memref<1x128x128xf32, #tpu.memory_space<hbm>>
      %dma_wait3A_704 = tpu.memref_squeeze %dma_wait3A_703 : memref<1x128x128xf32, #tpu.memory_space<hbm>> -> memref<128x128xf32, #tpu.memory_space<hbm>>
      %dma_wait3A_705 = arith.constant 0 : i32
      %dma_wait3A_706 = arith.constant 0 : i32
      %dma_wait3A_707 = tpu.memref_slice %arg6[%dma_wait3A_694, %dma_wait3A_705, %dma_wait3A_706] : memref<6x128x128xf32, #tpu.memory_space<vmem>> -> memref<1x128x128xf32, #tpu.memory_space<vmem>>
      %dma_wait3A_708 = tpu.memref_squeeze %dma_wait3A_707 : memref<1x128x128xf32, #tpu.memory_space<vmem>> -> memref<128x128xf32, #tpu.memory_space<vmem>>
      tpu.wait_dma2 semaphore(%arg17 : memref<!tpu.dma_semaphore, #tpu.memory_space<semaphore_mem>>) src(%dma_wait3A_708 : memref<128x128xf32, #tpu.memory_space<vmem>>) dst(%dma_wait3A_704 : memref<128x128xf32, #tpu.memory_space<hbm>>)
      %add3A_709 = arith.constant 4 : i32
      %add3A_710 = arith.addi %add3A_691, %add3A_709 : i32
      %dma_start3A_711 = arith.constant 4 : i32
      %dma_start3A_712 = arith.constant 0 : i32
      %dma_start3A_713 = arith.constant 0 : i32
      %dma_start3A_714 = tpu.memref_slice %arg6[%dma_start3A_711, %dma_start3A_712, %dma_start3A_713] : memref<6x128x128xf32, #tpu.memory_space<vmem>> -> memref<1x128x128xf32, #tpu.memory_space<vmem>>
      %dma_start3A_715 = tpu.memref_squeeze %dma_start3A_714 : memref<1x128x128xf32, #tpu.memory_space<vmem>> -> memref<128x128xf32, #tpu.memory_space<vmem>>
      %dma_start3A_716 = arith.constant 0 : i32
      %dma_start3A_717 = tpu.memref_slice %arg5[%add3A_710, %dma_start3A_716] : memref<50x128xi32, #tpu.memory_space<vmem>> -> memref<1x128xi32, #tpu.memory_space<vmem>>
      %dma_start3A_718 = tpu.memref_squeeze %dma_start3A_717 : memref<1x128xi32, #tpu.memory_space<vmem>> -> memref<128xi32, #tpu.memory_space<vmem>>
      %dma_start3A_719 = arith.constant 0 : i32
      %dma_start3A_720 = arith.constant 0 : i32
      %dma_start3A_721 = tpu.memref_slice %arg2[%dma_start3A_719, %dma_start3A_720] : memref<100001x128xf32, #tpu.memory_space<hbm>> -> memref<100001x128xf32, #tpu.memory_space<hbm>>
      tpu.enqueue_indirect_dma source(%dma_start3A_721 : memref<100001x128xf32, #tpu.memory_space<hbm>>) target(%dma_start3A_715 : memref<128x128xf32, #tpu.memory_space<vmem>>) offsets(%dma_start3A_718 : memref<128xi32, #tpu.memory_space<vmem>>) semaphore(%arg11 : memref<!tpu.dma_semaphore, #tpu.memory_space<semaphore_mem>>)
      %dma_wait3A_722 = arith.constant 0 : i32
      %dma_wait3A_723 = arith.constant 0 : i32
      %dma_wait3A_724 = arith.constant 0 : i32
      %dma_wait3A_725 = tpu.memref_slice %arg6[%dma_wait3A_722, %dma_wait3A_723, %dma_wait3A_724] : memref<6x128x128xf32, #tpu.memory_space<vmem>> -> memref<1x128x128xf32, #tpu.memory_space<vmem>>
      %dma_wait3A_726 = tpu.memref_squeeze %dma_wait3A_725 : memref<1x128x128xf32, #tpu.memory_space<vmem>> -> memref<128x128xf32, #tpu.memory_space<vmem>>
      %dma_wait3A_727 = arith.constant 0 : i32
      %dma_wait3A_728 = tpu.memref_slice %arg5[%add3A_691, %dma_wait3A_727] : memref<50x128xi32, #tpu.memory_space<vmem>> -> memref<1x128xi32, #tpu.memory_space<vmem>>
      %dma_wait3A_729 = tpu.memref_squeeze %dma_wait3A_728 : memref<1x128xi32, #tpu.memory_space<vmem>> -> memref<128xi32, #tpu.memory_space<vmem>>
      %dma_wait3A_730 = arith.constant 0 : i32
      %dma_wait3A_731 = arith.constant 0 : i32
      %dma_wait3A_732 = tpu.memref_slice %arg2[%dma_wait3A_730, %dma_wait3A_731] : memref<100001x128xf32, #tpu.memory_space<hbm>> -> memref<100001x128xf32, #tpu.memory_space<hbm>>
      tpu.wait_indirect_dma semaphore(%arg7 : memref<!tpu.dma_semaphore, #tpu.memory_space<semaphore_mem>>) src(%dma_wait3A_732 : memref<100001x128xf32, #tpu.memory_space<hbm>>) dst(%dma_wait3A_726 : memref<128x128xf32, #tpu.memory_space<vmem>>)
      %dma_start3A_733 = arith.constant 0 : i32
      %dma_start3A_734 = arith.constant 0 : i32
      %dma_start3A_735 = arith.constant 0 : i32
      %dma_start3A_736 = tpu.memref_slice %arg6[%dma_start3A_733, %dma_start3A_734, %dma_start3A_735] : memref<6x128x128xf32, #tpu.memory_space<vmem>> -> memref<1x128x128xf32, #tpu.memory_space<vmem>>
      %dma_start3A_737 = tpu.memref_squeeze %dma_start3A_736 : memref<1x128x128xf32, #tpu.memory_space<vmem>> -> memref<128x128xf32, #tpu.memory_space<vmem>>
      %dma_start3A_738 = arith.constant 0 : i32
      %dma_start3A_739 = tpu.memref_slice %arg4[%add3A_691, %mul3A_2, %dma_start3A_738] : memref<50x4096x128xf32, #tpu.memory_space<hbm>> -> memref<1x128x128xf32, #tpu.memory_space<hbm>>
      %dma_start3A_740 = tpu.memref_squeeze %dma_start3A_739 : memref<1x128x128xf32, #tpu.memory_space<hbm>> -> memref<128x128xf32, #tpu.memory_space<hbm>>
      %dma_start3A_741 = arith.constant 0 : i32
      %dma_start3A_742 = tpu.memref_slice %arg4[%add3A_691, %mul3A_2, %dma_start3A_741] : memref<50x4096x128xf32, #tpu.memory_space<hbm>> -> memref<1x128x128xf32, #tpu.memory_space<hbm>>
      %dma_start3A_743 = tpu.memref_squeeze %dma_start3A_742 : memref<1x128x128xf32, #tpu.memory_space<hbm>> -> memref<128x128xf32, #tpu.memory_space<hbm>>
      %dma_start3A_744 = arith.constant 0 : i32
      %dma_start3A_745 = arith.constant 0 : i32
      %dma_start3A_746 = tpu.memref_slice %arg6[%dma_start3A_733, %dma_start3A_744, %dma_start3A_745] : memref<6x128x128xf32, #tpu.memory_space<vmem>> -> memref<1x128x128xf32, #tpu.memory_space<vmem>>
      %dma_start3A_747 = tpu.memref_squeeze %dma_start3A_746 : memref<1x128x128xf32, #tpu.memory_space<vmem>> -> memref<128x128xf32, #tpu.memory_space<vmem>>
      tpu.enqueue_dma source(%dma_start3A_747 : memref<128x128xf32, #tpu.memory_space<vmem>>) target(%dma_start3A_743 : memref<128x128xf32, #tpu.memory_space<hbm>>) target_semaphore(%arg13 : memref<!tpu.dma_semaphore, #tpu.memory_space<semaphore_mem>>)
      %add3A_748 = arith.constant 5 : i32
      %add3A_749 = arith.addi %add3A_458, %add3A_748 : i32
      %sub3A_750 = arith.constant 2 : i32
      %sub3A_751 = arith.subi %add3A_749, %sub3A_750 : i32
      %dma_wait3A_752 = arith.constant 5 : i32
      %dma_wait3A_753 = arith.constant 0 : i32
      %dma_wait3A_754 = arith.constant 0 : i32
      %dma_wait3A_755 = tpu.memref_slice %arg6[%dma_wait3A_752, %dma_wait3A_753, %dma_wait3A_754] : memref<6x128x128xf32, #tpu.memory_space<vmem>> -> memref<1x128x128xf32, #tpu.memory_space<vmem>>
      %dma_wait3A_756 = tpu.memref_squeeze %dma_wait3A_755 : memref<1x128x128xf32, #tpu.memory_space<vmem>> -> memref<128x128xf32, #tpu.memory_space<vmem>>
      %dma_wait3A_757 = arith.constant 0 : i32
      %dma_wait3A_758 = tpu.memref_slice %arg4[%sub3A_751, %mul3A_2, %dma_wait3A_757] : memref<50x4096x128xf32, #tpu.memory_space<hbm>> -> memref<1x128x128xf32, #tpu.memory_space<hbm>>
      %dma_wait3A_759 = tpu.memref_squeeze %dma_wait3A_758 : memref<1x128x128xf32, #tpu.memory_space<hbm>> -> memref<128x128xf32, #tpu.memory_space<hbm>>
      %dma_wait3A_760 = arith.constant 0 : i32
      %dma_wait3A_761 = tpu.memref_slice %arg4[%sub3A_751, %mul3A_2, %dma_wait3A_760] : memref<50x4096x128xf32, #tpu.memory_space<hbm>> -> memref<1x128x128xf32, #tpu.memory_space<hbm>>
      %dma_wait3A_762 = tpu.memref_squeeze %dma_wait3A_761 : memref<1x128x128xf32, #tpu.memory_space<hbm>> -> memref<128x128xf32, #tpu.memory_space<hbm>>
      %dma_wait3A_763 = arith.constant 0 : i32
      %dma_wait3A_764 = arith.constant 0 : i32
      %dma_wait3A_765 = tpu.memref_slice %arg6[%dma_wait3A_752, %dma_wait3A_763, %dma_wait3A_764] : memref<6x128x128xf32, #tpu.memory_space<vmem>> -> memref<1x128x128xf32, #tpu.memory_space<vmem>>
      %dma_wait3A_766 = tpu.memref_squeeze %dma_wait3A_765 : memref<1x128x128xf32, #tpu.memory_space<vmem>> -> memref<128x128xf32, #tpu.memory_space<vmem>>
      tpu.wait_dma2 semaphore(%arg18 : memref<!tpu.dma_semaphore, #tpu.memory_space<semaphore_mem>>) src(%dma_wait3A_766 : memref<128x128xf32, #tpu.memory_space<vmem>>) dst(%dma_wait3A_762 : memref<128x128xf32, #tpu.memory_space<hbm>>)
      %add3A_767 = arith.constant 4 : i32
      %add3A_768 = arith.addi %add3A_749, %add3A_767 : i32
      %dma_start3A_769 = arith.constant 5 : i32
      %dma_start3A_770 = arith.constant 0 : i32
      %dma_start3A_771 = arith.constant 0 : i32
      %dma_start3A_772 = tpu.memref_slice %arg6[%dma_start3A_769, %dma_start3A_770, %dma_start3A_771] : memref<6x128x128xf32, #tpu.memory_space<vmem>> -> memref<1x128x128xf32, #tpu.memory_space<vmem>>
      %dma_start3A_773 = tpu.memref_squeeze %dma_start3A_772 : memref<1x128x128xf32, #tpu.memory_space<vmem>> -> memref<128x128xf32, #tpu.memory_space<vmem>>
      %dma_start3A_774 = arith.constant 0 : i32
      %dma_start3A_775 = tpu.memref_slice %arg5[%add3A_768, %dma_start3A_774] : memref<50x128xi32, #tpu.memory_space<vmem>> -> memref<1x128xi32, #tpu.memory_space<vmem>>
      %dma_start3A_776 = tpu.memref_squeeze %dma_start3A_775 : memref<1x128xi32, #tpu.memory_space<vmem>> -> memref<128xi32, #tpu.memory_space<vmem>>
      %dma_start3A_777 = arith.constant 0 : i32
      %dma_start3A_778 = arith.constant 0 : i32
      %dma_start3A_779 = tpu.memref_slice %arg2[%dma_start3A_777, %dma_start3A_778] : memref<100001x128xf32, #tpu.memory_space<hbm>> -> memref<100001x128xf32, #tpu.memory_space<hbm>>
      tpu.enqueue_indirect_dma source(%dma_start3A_779 : memref<100001x128xf32, #tpu.memory_space<hbm>>) target(%dma_start3A_773 : memref<128x128xf32, #tpu.memory_space<vmem>>) offsets(%dma_start3A_776 : memref<128xi32, #tpu.memory_space<vmem>>) semaphore(%arg12 : memref<!tpu.dma_semaphore, #tpu.memory_space<semaphore_mem>>)
      %dma_wait3A_780 = arith.constant 1 : i32
      %dma_wait3A_781 = arith.constant 0 : i32
      %dma_wait3A_782 = arith.constant 0 : i32
      %dma_wait3A_783 = tpu.memref_slice %arg6[%dma_wait3A_780, %dma_wait3A_781, %dma_wait3A_782] : memref<6x128x128xf32, #tpu.memory_space<vmem>> -> memref<1x128x128xf32, #tpu.memory_space<vmem>>
      %dma_wait3A_784 = tpu.memref_squeeze %dma_wait3A_783 : memref<1x128x128xf32, #tpu.memory_space<vmem>> -> memref<128x128xf32, #tpu.memory_space<vmem>>
      %dma_wait3A_785 = arith.constant 0 : i32
      %dma_wait3A_786 = tpu.memref_slice %arg5[%add3A_749, %dma_wait3A_785] : memref<50x128xi32, #tpu.memory_space<vmem>> -> memref<1x128xi32, #tpu.memory_space<vmem>>
      %dma_wait3A_787 = tpu.memref_squeeze %dma_wait3A_786 : memref<1x128xi32, #tpu.memory_space<vmem>> -> memref<128xi32, #tpu.memory_space<vmem>>
      %dma_wait3A_788 = arith.constant 0 : i32
      %dma_wait3A_789 = arith.constant 0 : i32
      %dma_wait3A_790 = tpu.memref_slice %arg2[%dma_wait3A_788, %dma_wait3A_789] : memref<100001x128xf32, #tpu.memory_space<hbm>> -> memref<100001x128xf32, #tpu.memory_space<hbm>>
      tpu.wait_indirect_dma semaphore(%arg8 : memref<!tpu.dma_semaphore, #tpu.memory_space<semaphore_mem>>) src(%dma_wait3A_790 : memref<100001x128xf32, #tpu.memory_space<hbm>>) dst(%dma_wait3A_784 : memref<128x128xf32, #tpu.memory_space<vmem>>)
      %dma_start3A_791 = arith.constant 1 : i32
      %dma_start3A_792 = arith.constant 0 : i32
      %dma_start3A_793 = arith.constant 0 : i32
      %dma_start3A_794 = tpu.memref_slice %arg6[%dma_start3A_791, %dma_start3A_792, %dma_start3A_793] : memref<6x128x128xf32, #tpu.memory_space<vmem>> -> memref<1x128x128xf32, #tpu.memory_space<vmem>>
      %dma_start3A_795 = tpu.memref_squeeze %dma_start3A_794 : memref<1x128x128xf32, #tpu.memory_space<vmem>> -> memref<128x128xf32, #tpu.memory_space<vmem>>
      %dma_start3A_796 = arith.constant 0 : i32
      %dma_start3A_797 = tpu.memref_slice %arg4[%add3A_749, %mul3A_2, %dma_start3A_796] : memref<50x4096x128xf32, #tpu.memory_space<hbm>> -> memref<1x128x128xf32, #tpu.memory_space<hbm>>
      %dma_start3A_798 = tpu.memref_squeeze %dma_start3A_797 : memref<1x128x128xf32, #tpu.memory_space<hbm>> -> memref<128x128xf32, #tpu.memory_space<hbm>>
      %dma_start3A_799 = arith.constant 0 : i32
      %dma_start3A_800 = tpu.memref_slice %arg4[%add3A_749, %mul3A_2, %dma_start3A_799] : memref<50x4096x128xf32, #tpu.memory_space<hbm>> -> memref<1x128x128xf32, #tpu.memory_space<hbm>>
      %dma_start3A_801 = tpu.memref_squeeze %dma_start3A_800 : memref<1x128x128xf32, #tpu.memory_space<hbm>> -> memref<128x128xf32, #tpu.memory_space<hbm>>
      %dma_start3A_802 = arith.constant 0 : i32
      %dma_start3A_803 = arith.constant 0 : i32
      %dma_start3A_804 = tpu.memref_slice %arg6[%dma_start3A_791, %dma_start3A_802, %dma_start3A_803] : memref<6x128x128xf32, #tpu.memory_space<vmem>> -> memref<1x128x128xf32, #tpu.memory_space<vmem>>
      %dma_start3A_805 = tpu.memref_squeeze %dma_start3A_804 : memref<1x128x128xf32, #tpu.memory_space<vmem>> -> memref<128x128xf32, #tpu.memory_space<vmem>>
      tpu.enqueue_dma source(%dma_start3A_805 : memref<128x128xf32, #tpu.memory_space<vmem>>) target(%dma_start3A_801 : memref<128x128xf32, #tpu.memory_space<hbm>>) target_semaphore(%arg14 : memref<!tpu.dma_semaphore, #tpu.memory_space<semaphore_mem>>)
    }
    %scan3A_133 = arith.constant 7 : i32
    %dma_wait3A_134 = arith.constant 0 : i32
    %dma_wait3A_135 = arith.constant 42 : i32
    %dma_wait3A_136 = arith.constant 0 : i32
    %dma_wait3A_137 = arith.constant 0 : i32
    %dma_wait3A_138 = tpu.memref_slice %arg6[%dma_wait3A_134, %dma_wait3A_136, %dma_wait3A_137] : memref<6x128x128xf32, #tpu.memory_space<vmem>> -> memref<1x128x128xf32, #tpu.memory_space<vmem>>
    %dma_wait3A_139 = tpu.memref_squeeze %dma_wait3A_138 : memref<1x128x128xf32, #tpu.memory_space<vmem>> -> memref<128x128xf32, #tpu.memory_space<vmem>>
    %dma_wait3A_140 = arith.constant 0 : i32
    %dma_wait3A_141 = tpu.memref_slice %arg4[%dma_wait3A_135, %mul3A_2, %dma_wait3A_140] : memref<50x4096x128xf32, #tpu.memory_space<hbm>> -> memref<1x128x128xf32, #tpu.memory_space<hbm>>
    %dma_wait3A_142 = tpu.memref_squeeze %dma_wait3A_141 : memref<1x128x128xf32, #tpu.memory_space<hbm>> -> memref<128x128xf32, #tpu.memory_space<hbm>>
    %dma_wait3A_143 = arith.constant 0 : i32
    %dma_wait3A_144 = tpu.memref_slice %arg4[%dma_wait3A_135, %mul3A_2, %dma_wait3A_143] : memref<50x4096x128xf32, #tpu.memory_space<hbm>> -> memref<1x128x128xf32, #tpu.memory_space<hbm>>
    %dma_wait3A_145 = tpu.memref_squeeze %dma_wait3A_144 : memref<1x128x128xf32, #tpu.memory_space<hbm>> -> memref<128x128xf32, #tpu.memory_space<hbm>>
    %dma_wait3A_146 = arith.constant 0 : i32
    %dma_wait3A_147 = arith.constant 0 : i32
    %dma_wait3A_148 = tpu.memref_slice %arg6[%dma_wait3A_134, %dma_wait3A_146, %dma_wait3A_147] : memref<6x128x128xf32, #tpu.memory_space<vmem>> -> memref<1x128x128xf32, #tpu.memory_space<vmem>>
    %dma_wait3A_149 = tpu.memref_squeeze %dma_wait3A_148 : memref<1x128x128xf32, #tpu.memory_space<vmem>> -> memref<128x128xf32, #tpu.memory_space<vmem>>
    tpu.wait_dma2 semaphore(%arg13 : memref<!tpu.dma_semaphore, #tpu.memory_space<semaphore_mem>>) src(%dma_wait3A_149 : memref<128x128xf32, #tpu.memory_space<vmem>>) dst(%dma_wait3A_145 : memref<128x128xf32, #tpu.memory_space<hbm>>)
    %dma_start3A_150 = arith.constant 48 : i32
    %dma_start3A_151 = arith.constant 0 : i32
    %dma_start3A_152 = arith.constant 0 : i32
    %dma_start3A_153 = arith.constant 0 : i32
    %dma_start3A_154 = tpu.memref_slice %arg6[%dma_start3A_151, %dma_start3A_152, %dma_start3A_153] : memref<6x128x128xf32, #tpu.memory_space<vmem>> -> memref<1x128x128xf32, #tpu.memory_space<vmem>>
    %dma_start3A_155 = tpu.memref_squeeze %dma_start3A_154 : memref<1x128x128xf32, #tpu.memory_space<vmem>> -> memref<128x128xf32, #tpu.memory_space<vmem>>
    %dma_start3A_156 = arith.constant 0 : i32
    %dma_start3A_157 = tpu.memref_slice %arg5[%dma_start3A_150, %dma_start3A_156] : memref<50x128xi32, #tpu.memory_space<vmem>> -> memref<1x128xi32, #tpu.memory_space<vmem>>
    %dma_start3A_158 = tpu.memref_squeeze %dma_start3A_157 : memref<1x128xi32, #tpu.memory_space<vmem>> -> memref<128xi32, #tpu.memory_space<vmem>>
    %dma_start3A_159 = arith.constant 0 : i32
    %dma_start3A_160 = arith.constant 0 : i32
    %dma_start3A_161 = tpu.memref_slice %arg2[%dma_start3A_159, %dma_start3A_160] : memref<100001x128xf32, #tpu.memory_space<hbm>> -> memref<100001x128xf32, #tpu.memory_space<hbm>>
    tpu.enqueue_indirect_dma source(%dma_start3A_161 : memref<100001x128xf32, #tpu.memory_space<hbm>>) target(%dma_start3A_155 : memref<128x128xf32, #tpu.memory_space<vmem>>) offsets(%dma_start3A_158 : memref<128xi32, #tpu.memory_space<vmem>>) semaphore(%arg7 : memref<!tpu.dma_semaphore, #tpu.memory_space<semaphore_mem>>)
    %dma_wait3A_162 = arith.constant 44 : i32
    %dma_wait3A_163 = arith.constant 2 : i32
    %dma_wait3A_164 = arith.constant 0 : i32
    %dma_wait3A_165 = arith.constant 0 : i32
    %dma_wait3A_166 = tpu.memref_slice %arg6[%dma_wait3A_163, %dma_wait3A_164, %dma_wait3A_165] : memref<6x128x128xf32, #tpu.memory_space<vmem>> -> memref<1x128x128xf32, #tpu.memory_space<vmem>>
    %dma_wait3A_167 = tpu.memref_squeeze %dma_wait3A_166 : memref<1x128x128xf32, #tpu.memory_space<vmem>> -> memref<128x128xf32, #tpu.memory_space<vmem>>
    %dma_wait3A_168 = arith.constant 0 : i32
    %dma_wait3A_169 = tpu.memref_slice %arg5[%dma_wait3A_162, %dma_wait3A_168] : memref<50x128xi32, #tpu.memory_space<vmem>> -> memref<1x128xi32, #tpu.memory_space<vmem>>
    %dma_wait3A_170 = tpu.memref_squeeze %dma_wait3A_169 : memref<1x128xi32, #tpu.memory_space<vmem>> -> memref<128xi32, #tpu.memory_space<vmem>>
    %dma_wait3A_171 = arith.constant 0 : i32
    %dma_wait3A_172 = arith.constant 0 : i32
    %dma_wait3A_173 = tpu.memref_slice %arg2[%dma_wait3A_171, %dma_wait3A_172] : memref<100001x128xf32, #tpu.memory_space<hbm>> -> memref<100001x128xf32, #tpu.memory_space<hbm>>
    tpu.wait_indirect_dma semaphore(%arg9 : memref<!tpu.dma_semaphore, #tpu.memory_space<semaphore_mem>>) src(%dma_wait3A_173 : memref<100001x128xf32, #tpu.memory_space<hbm>>) dst(%dma_wait3A_167 : memref<128x128xf32, #tpu.memory_space<vmem>>)
    %dma_start3A_174 = arith.constant 2 : i32
    %dma_start3A_175 = arith.constant 44 : i32
    %dma_start3A_176 = arith.constant 0 : i32
    %dma_start3A_177 = arith.constant 0 : i32
    %dma_start3A_178 = tpu.memref_slice %arg6[%dma_start3A_174, %dma_start3A_176, %dma_start3A_177] : memref<6x128x128xf32, #tpu.memory_space<vmem>> -> memref<1x128x128xf32, #tpu.memory_space<vmem>>
    %dma_start3A_179 = tpu.memref_squeeze %dma_start3A_178 : memref<1x128x128xf32, #tpu.memory_space<vmem>> -> memref<128x128xf32, #tpu.memory_space<vmem>>
    %dma_start3A_180 = arith.constant 0 : i32
    %dma_start3A_181 = tpu.memref_slice %arg4[%dma_start3A_175, %mul3A_2, %dma_start3A_180] : memref<50x4096x128xf32, #tpu.memory_space<hbm>> -> memref<1x128x128xf32, #tpu.memory_space<hbm>>
    %dma_start3A_182 = tpu.memref_squeeze %dma_start3A_181 : memref<1x128x128xf32, #tpu.memory_space<hbm>> -> memref<128x128xf32, #tpu.memory_space<hbm>>
    %dma_start3A_183 = arith.constant 0 : i32
    %dma_start3A_184 = tpu.memref_slice %arg4[%dma_start3A_175, %mul3A_2, %dma_start3A_183] : memref<50x4096x128xf32, #tpu.memory_space<hbm>> -> memref<1x128x128xf32, #tpu.memory_space<hbm>>
    %dma_start3A_185 = tpu.memref_squeeze %dma_start3A_184 : memref<1x128x128xf32, #tpu.memory_space<hbm>> -> memref<128x128xf32, #tpu.memory_space<hbm>>
    %dma_start3A_186 = arith.constant 0 : i32
    %dma_start3A_187 = arith.constant 0 : i32
    %dma_start3A_188 = tpu.memref_slice %arg6[%dma_start3A_174, %dma_start3A_186, %dma_start3A_187] : memref<6x128x128xf32, #tpu.memory_space<vmem>> -> memref<1x128x128xf32, #tpu.memory_space<vmem>>
    %dma_start3A_189 = tpu.memref_squeeze %dma_start3A_188 : memref<1x128x128xf32, #tpu.memory_space<vmem>> -> memref<128x128xf32, #tpu.memory_space<vmem>>
    tpu.enqueue_dma source(%dma_start3A_189 : memref<128x128xf32, #tpu.memory_space<vmem>>) target(%dma_start3A_185 : memref<128x128xf32, #tpu.memory_space<hbm>>) target_semaphore(%arg15 : memref<!tpu.dma_semaphore, #tpu.memory_space<semaphore_mem>>)
    %dma_wait3A_190 = arith.constant 1 : i32
    %dma_wait3A_191 = arith.constant 43 : i32
    %dma_wait3A_192 = arith.constant 0 : i32
    %dma_wait3A_193 = arith.constant 0 : i32
    %dma_wait3A_194 = tpu.memref_slice %arg6[%dma_wait3A_190, %dma_wait3A_192, %dma_wait3A_193] : memref<6x128x128xf32, #tpu.memory_space<vmem>> -> memref<1x128x128xf32, #tpu.memory_space<vmem>>
    %dma_wait3A_195 = tpu.memref_squeeze %dma_wait3A_194 : memref<1x128x128xf32, #tpu.memory_space<vmem>> -> memref<128x128xf32, #tpu.memory_space<vmem>>
    %dma_wait3A_196 = arith.constant 0 : i32
    %dma_wait3A_197 = tpu.memref_slice %arg4[%dma_wait3A_191, %mul3A_2, %dma_wait3A_196] : memref<50x4096x128xf32, #tpu.memory_space<hbm>> -> memref<1x128x128xf32, #tpu.memory_space<hbm>>
    %dma_wait3A_198 = tpu.memref_squeeze %dma_wait3A_197 : memref<1x128x128xf32, #tpu.memory_space<hbm>> -> memref<128x128xf32, #tpu.memory_space<hbm>>
    %dma_wait3A_199 = arith.constant 0 : i32
    %dma_wait3A_200 = tpu.memref_slice %arg4[%dma_wait3A_191, %mul3A_2, %dma_wait3A_199] : memref<50x4096x128xf32, #tpu.memory_space<hbm>> -> memref<1x128x128xf32, #tpu.memory_space<hbm>>
    %dma_wait3A_201 = tpu.memref_squeeze %dma_wait3A_200 : memref<1x128x128xf32, #tpu.memory_space<hbm>> -> memref<128x128xf32, #tpu.memory_space<hbm>>
    %dma_wait3A_202 = arith.constant 0 : i32
    %dma_wait3A_203 = arith.constant 0 : i32
    %dma_wait3A_204 = tpu.memref_slice %arg6[%dma_wait3A_190, %dma_wait3A_202, %dma_wait3A_203] : memref<6x128x128xf32, #tpu.memory_space<vmem>> -> memref<1x128x128xf32, #tpu.memory_space<vmem>>
    %dma_wait3A_205 = tpu.memref_squeeze %dma_wait3A_204 : memref<1x128x128xf32, #tpu.memory_space<vmem>> -> memref<128x128xf32, #tpu.memory_space<vmem>>
    tpu.wait_dma2 semaphore(%arg14 : memref<!tpu.dma_semaphore, #tpu.memory_space<semaphore_mem>>) src(%dma_wait3A_205 : memref<128x128xf32, #tpu.memory_space<vmem>>) dst(%dma_wait3A_201 : memref<128x128xf32, #tpu.memory_space<hbm>>)
    %dma_start3A_206 = arith.constant 49 : i32
    %dma_start3A_207 = arith.constant 1 : i32
    %dma_start3A_208 = arith.constant 0 : i32
    %dma_start3A_209 = arith.constant 0 : i32
    %dma_start3A_210 = tpu.memref_slice %arg6[%dma_start3A_207, %dma_start3A_208, %dma_start3A_209] : memref<6x128x128xf32, #tpu.memory_space<vmem>> -> memref<1x128x128xf32, #tpu.memory_space<vmem>>
    %dma_start3A_211 = tpu.memref_squeeze %dma_start3A_210 : memref<1x128x128xf32, #tpu.memory_space<vmem>> -> memref<128x128xf32, #tpu.memory_space<vmem>>
    %dma_start3A_212 = arith.constant 0 : i32
    %dma_start3A_213 = tpu.memref_slice %arg5[%dma_start3A_206, %dma_start3A_212] : memref<50x128xi32, #tpu.memory_space<vmem>> -> memref<1x128xi32, #tpu.memory_space<vmem>>
    %dma_start3A_214 = tpu.memref_squeeze %dma_start3A_213 : memref<1x128xi32, #tpu.memory_space<vmem>> -> memref<128xi32, #tpu.memory_space<vmem>>
    %dma_start3A_215 = arith.constant 0 : i32
    %dma_start3A_216 = arith.constant 0 : i32
    %dma_start3A_217 = tpu.memref_slice %arg2[%dma_start3A_215, %dma_start3A_216] : memref<100001x128xf32, #tpu.memory_space<hbm>> -> memref<100001x128xf32, #tpu.memory_space<hbm>>
    tpu.enqueue_indirect_dma source(%dma_start3A_217 : memref<100001x128xf32, #tpu.memory_space<hbm>>) target(%dma_start3A_211 : memref<128x128xf32, #tpu.memory_space<vmem>>) offsets(%dma_start3A_214 : memref<128xi32, #tpu.memory_space<vmem>>) semaphore(%arg8 : memref<!tpu.dma_semaphore, #tpu.memory_space<semaphore_mem>>)
    %dma_wait3A_218 = arith.constant 45 : i32
    %dma_wait3A_219 = arith.constant 3 : i32
    %dma_wait3A_220 = arith.constant 0 : i32
    %dma_wait3A_221 = arith.constant 0 : i32
    %dma_wait3A_222 = tpu.memref_slice %arg6[%dma_wait3A_219, %dma_wait3A_220, %dma_wait3A_221] : memref<6x128x128xf32, #tpu.memory_space<vmem>> -> memref<1x128x128xf32, #tpu.memory_space<vmem>>
    %dma_wait3A_223 = tpu.memref_squeeze %dma_wait3A_222 : memref<1x128x128xf32, #tpu.memory_space<vmem>> -> memref<128x128xf32, #tpu.memory_space<vmem>>
    %dma_wait3A_224 = arith.constant 0 : i32
    %dma_wait3A_225 = tpu.memref_slice %arg5[%dma_wait3A_218, %dma_wait3A_224] : memref<50x128xi32, #tpu.memory_space<vmem>> -> memref<1x128xi32, #tpu.memory_space<vmem>>
    %dma_wait3A_226 = tpu.memref_squeeze %dma_wait3A_225 : memref<1x128xi32, #tpu.memory_space<vmem>> -> memref<128xi32, #tpu.memory_space<vmem>>
    %dma_wait3A_227 = arith.constant 0 : i32
    %dma_wait3A_228 = arith.constant 0 : i32
    %dma_wait3A_229 = tpu.memref_slice %arg2[%dma_wait3A_227, %dma_wait3A_228] : memref<100001x128xf32, #tpu.memory_space<hbm>> -> memref<100001x128xf32, #tpu.memory_space<hbm>>
    tpu.wait_indirect_dma semaphore(%arg10 : memref<!tpu.dma_semaphore, #tpu.memory_space<semaphore_mem>>) src(%dma_wait3A_229 : memref<100001x128xf32, #tpu.memory_space<hbm>>) dst(%dma_wait3A_223 : memref<128x128xf32, #tpu.memory_space<vmem>>)
    %dma_start3A_230 = arith.constant 3 : i32
    %dma_start3A_231 = arith.constant 45 : i32
    %dma_start3A_232 = arith.constant 0 : i32
    %dma_start3A_233 = arith.constant 0 : i32
    %dma_start3A_234 = tpu.memref_slice %arg6[%dma_start3A_230, %dma_start3A_232, %dma_start3A_233] : memref<6x128x128xf32, #tpu.memory_space<vmem>> -> memref<1x128x128xf32, #tpu.memory_space<vmem>>
    %dma_start3A_235 = tpu.memref_squeeze %dma_start3A_234 : memref<1x128x128xf32, #tpu.memory_space<vmem>> -> memref<128x128xf32, #tpu.memory_space<vmem>>
    %dma_start3A_236 = arith.constant 0 : i32
    %dma_start3A_237 = tpu.memref_slice %arg4[%dma_start3A_231, %mul3A_2, %dma_start3A_236] : memref<50x4096x128xf32, #tpu.memory_space<hbm>> -> memref<1x128x128xf32, #tpu.memory_space<hbm>>
    %dma_start3A_238 = tpu.memref_squeeze %dma_start3A_237 : memref<1x128x128xf32, #tpu.memory_space<hbm>> -> memref<128x128xf32, #tpu.memory_space<hbm>>
    %dma_start3A_239 = arith.constant 0 : i32
    %dma_start3A_240 = tpu.memref_slice %arg4[%dma_start3A_231, %mul3A_2, %dma_start3A_239] : memref<50x4096x128xf32, #tpu.memory_space<hbm>> -> memref<1x128x128xf32, #tpu.memory_space<hbm>>
    %dma_start3A_241 = tpu.memref_squeeze %dma_start3A_240 : memref<1x128x128xf32, #tpu.memory_space<hbm>> -> memref<128x128xf32, #tpu.memory_space<hbm>>
    %dma_start3A_242 = arith.constant 0 : i32
    %dma_start3A_243 = arith.constant 0 : i32
    %dma_start3A_244 = tpu.memref_slice %arg6[%dma_start3A_230, %dma_start3A_242, %dma_start3A_243] : memref<6x128x128xf32, #tpu.memory_space<vmem>> -> memref<1x128x128xf32, #tpu.memory_space<vmem>>
    %dma_start3A_245 = tpu.memref_squeeze %dma_start3A_244 : memref<1x128x128xf32, #tpu.memory_space<vmem>> -> memref<128x128xf32, #tpu.memory_space<vmem>>
    tpu.enqueue_dma source(%dma_start3A_245 : memref<128x128xf32, #tpu.memory_space<vmem>>) target(%dma_start3A_241 : memref<128x128xf32, #tpu.memory_space<hbm>>) target_semaphore(%arg16 : memref<!tpu.dma_semaphore, #tpu.memory_space<semaphore_mem>>)
    %dma_wait3A_246 = arith.constant 2 : i32
    %dma_wait3A_247 = arith.constant 44 : i32
    %dma_wait3A_248 = arith.constant 0 : i32
    %dma_wait3A_249 = arith.constant 0 : i32
    %dma_wait3A_250 = tpu.memref_slice %arg6[%dma_wait3A_246, %dma_wait3A_248, %dma_wait3A_249] : memref<6x128x128xf32, #tpu.memory_space<vmem>> -> memref<1x128x128xf32, #tpu.memory_space<vmem>>
    %dma_wait3A_251 = tpu.memref_squeeze %dma_wait3A_250 : memref<1x128x128xf32, #tpu.memory_space<vmem>> -> memref<128x128xf32, #tpu.memory_space<vmem>>
    %dma_wait3A_252 = arith.constant 0 : i32
    %dma_wait3A_253 = tpu.memref_slice %arg4[%dma_wait3A_247, %mul3A_2, %dma_wait3A_252] : memref<50x4096x128xf32, #tpu.memory_space<hbm>> -> memref<1x128x128xf32, #tpu.memory_space<hbm>>
    %dma_wait3A_254 = tpu.memref_squeeze %dma_wait3A_253 : memref<1x128x128xf32, #tpu.memory_space<hbm>> -> memref<128x128xf32, #tpu.memory_space<hbm>>
    %dma_wait3A_255 = arith.constant 0 : i32
    %dma_wait3A_256 = tpu.memref_slice %arg4[%dma_wait3A_247, %mul3A_2, %dma_wait3A_255] : memref<50x4096x128xf32, #tpu.memory_space<hbm>> -> memref<1x128x128xf32, #tpu.memory_space<hbm>>
    %dma_wait3A_257 = tpu.memref_squeeze %dma_wait3A_256 : memref<1x128x128xf32, #tpu.memory_space<hbm>> -> memref<128x128xf32, #tpu.memory_space<hbm>>
    %dma_wait3A_258 = arith.constant 0 : i32
    %dma_wait3A_259 = arith.constant 0 : i32
    %dma_wait3A_260 = tpu.memref_slice %arg6[%dma_wait3A_246, %dma_wait3A_258, %dma_wait3A_259] : memref<6x128x128xf32, #tpu.memory_space<vmem>> -> memref<1x128x128xf32, #tpu.memory_space<vmem>>
    %dma_wait3A_261 = tpu.memref_squeeze %dma_wait3A_260 : memref<1x128x128xf32, #tpu.memory_space<vmem>> -> memref<128x128xf32, #tpu.memory_space<vmem>>
    tpu.wait_dma2 semaphore(%arg15 : memref<!tpu.dma_semaphore, #tpu.memory_space<semaphore_mem>>) src(%dma_wait3A_261 : memref<128x128xf32, #tpu.memory_space<vmem>>) dst(%dma_wait3A_257 : memref<128x128xf32, #tpu.memory_space<hbm>>)
    %dma_wait3A_262 = arith.constant 46 : i32
    %dma_wait3A_263 = arith.constant 4 : i32
    %dma_wait3A_264 = arith.constant 0 : i32
    %dma_wait3A_265 = arith.constant 0 : i32
    %dma_wait3A_266 = tpu.memref_slice %arg6[%dma_wait3A_263, %dma_wait3A_264, %dma_wait3A_265] : memref<6x128x128xf32, #tpu.memory_space<vmem>> -> memref<1x128x128xf32, #tpu.memory_space<vmem>>
    %dma_wait3A_267 = tpu.memref_squeeze %dma_wait3A_266 : memref<1x128x128xf32, #tpu.memory_space<vmem>> -> memref<128x128xf32, #tpu.memory_space<vmem>>
    %dma_wait3A_268 = arith.constant 0 : i32
    %dma_wait3A_269 = tpu.memref_slice %arg5[%dma_wait3A_262, %dma_wait3A_268] : memref<50x128xi32, #tpu.memory_space<vmem>> -> memref<1x128xi32, #tpu.memory_space<vmem>>
    %dma_wait3A_270 = tpu.memref_squeeze %dma_wait3A_269 : memref<1x128xi32, #tpu.memory_space<vmem>> -> memref<128xi32, #tpu.memory_space<vmem>>
    %dma_wait3A_271 = arith.constant 0 : i32
    %dma_wait3A_272 = arith.constant 0 : i32
    %dma_wait3A_273 = tpu.memref_slice %arg2[%dma_wait3A_271, %dma_wait3A_272] : memref<100001x128xf32, #tpu.memory_space<hbm>> -> memref<100001x128xf32, #tpu.memory_space<hbm>>
    tpu.wait_indirect_dma semaphore(%arg11 : memref<!tpu.dma_semaphore, #tpu.memory_space<semaphore_mem>>) src(%dma_wait3A_273 : memref<100001x128xf32, #tpu.memory_space<hbm>>) dst(%dma_wait3A_267 : memref<128x128xf32, #tpu.memory_space<vmem>>)
    %dma_start3A_274 = arith.constant 4 : i32
    %dma_start3A_275 = arith.constant 46 : i32
    %dma_start3A_276 = arith.constant 0 : i32
    %dma_start3A_277 = arith.constant 0 : i32
    %dma_start3A_278 = tpu.memref_slice %arg6[%dma_start3A_274, %dma_start3A_276, %dma_start3A_277] : memref<6x128x128xf32, #tpu.memory_space<vmem>> -> memref<1x128x128xf32, #tpu.memory_space<vmem>>
    %dma_start3A_279 = tpu.memref_squeeze %dma_start3A_278 : memref<1x128x128xf32, #tpu.memory_space<vmem>> -> memref<128x128xf32, #tpu.memory_space<vmem>>
    %dma_start3A_280 = arith.constant 0 : i32
    %dma_start3A_281 = tpu.memref_slice %arg4[%dma_start3A_275, %mul3A_2, %dma_start3A_280] : memref<50x4096x128xf32, #tpu.memory_space<hbm>> -> memref<1x128x128xf32, #tpu.memory_space<hbm>>
    %dma_start3A_282 = tpu.memref_squeeze %dma_start3A_281 : memref<1x128x128xf32, #tpu.memory_space<hbm>> -> memref<128x128xf32, #tpu.memory_space<hbm>>
    %dma_start3A_283 = arith.constant 0 : i32
    %dma_start3A_284 = tpu.memref_slice %arg4[%dma_start3A_275, %mul3A_2, %dma_start3A_283] : memref<50x4096x128xf32, #tpu.memory_space<hbm>> -> memref<1x128x128xf32, #tpu.memory_space<hbm>>
    %dma_start3A_285 = tpu.memref_squeeze %dma_start3A_284 : memref<1x128x128xf32, #tpu.memory_space<hbm>> -> memref<128x128xf32, #tpu.memory_space<hbm>>
    %dma_start3A_286 = arith.constant 0 : i32
    %dma_start3A_287 = arith.constant 0 : i32
    %dma_start3A_288 = tpu.memref_slice %arg6[%dma_start3A_274, %dma_start3A_286, %dma_start3A_287] : memref<6x128x128xf32, #tpu.memory_space<vmem>> -> memref<1x128x128xf32, #tpu.memory_space<vmem>>
    %dma_start3A_289 = tpu.memref_squeeze %dma_start3A_288 : memref<1x128x128xf32, #tpu.memory_space<vmem>> -> memref<128x128xf32, #tpu.memory_space<vmem>>
    tpu.enqueue_dma source(%dma_start3A_289 : memref<128x128xf32, #tpu.memory_space<vmem>>) target(%dma_start3A_285 : memref<128x128xf32, #tpu.memory_space<hbm>>) target_semaphore(%arg17 : memref<!tpu.dma_semaphore, #tpu.memory_space<semaphore_mem>>)
    %dma_wait3A_290 = arith.constant 3 : i32
    %dma_wait3A_291 = arith.constant 45 : i32
    %dma_wait3A_292 = arith.constant 0 : i32
    %dma_wait3A_293 = arith.constant 0 : i32
    %dma_wait3A_294 = tpu.memref_slice %arg6[%dma_wait3A_290, %dma_wait3A_292, %dma_wait3A_293] : memref<6x128x128xf32, #tpu.memory_space<vmem>> -> memref<1x128x128xf32, #tpu.memory_space<vmem>>
    %dma_wait3A_295 = tpu.memref_squeeze %dma_wait3A_294 : memref<1x128x128xf32, #tpu.memory_space<vmem>> -> memref<128x128xf32, #tpu.memory_space<vmem>>
    %dma_wait3A_296 = arith.constant 0 : i32
    %dma_wait3A_297 = tpu.memref_slice %arg4[%dma_wait3A_291, %mul3A_2, %dma_wait3A_296] : memref<50x4096x128xf32, #tpu.memory_space<hbm>> -> memref<1x128x128xf32, #tpu.memory_space<hbm>>
    %dma_wait3A_298 = tpu.memref_squeeze %dma_wait3A_297 : memref<1x128x128xf32, #tpu.memory_space<hbm>> -> memref<128x128xf32, #tpu.memory_space<hbm>>
    %dma_wait3A_299 = arith.constant 0 : i32
    %dma_wait3A_300 = tpu.memref_slice %arg4[%dma_wait3A_291, %mul3A_2, %dma_wait3A_299] : memref<50x4096x128xf32, #tpu.memory_space<hbm>> -> memref<1x128x128xf32, #tpu.memory_space<hbm>>
    %dma_wait3A_301 = tpu.memref_squeeze %dma_wait3A_300 : memref<1x128x128xf32, #tpu.memory_space<hbm>> -> memref<128x128xf32, #tpu.memory_space<hbm>>
    %dma_wait3A_302 = arith.constant 0 : i32
    %dma_wait3A_303 = arith.constant 0 : i32
    %dma_wait3A_304 = tpu.memref_slice %arg6[%dma_wait3A_290, %dma_wait3A_302, %dma_wait3A_303] : memref<6x128x128xf32, #tpu.memory_space<vmem>> -> memref<1x128x128xf32, #tpu.memory_space<vmem>>
    %dma_wait3A_305 = tpu.memref_squeeze %dma_wait3A_304 : memref<1x128x128xf32, #tpu.memory_space<vmem>> -> memref<128x128xf32, #tpu.memory_space<vmem>>
    tpu.wait_dma2 semaphore(%arg16 : memref<!tpu.dma_semaphore, #tpu.memory_space<semaphore_mem>>) src(%dma_wait3A_305 : memref<128x128xf32, #tpu.memory_space<vmem>>) dst(%dma_wait3A_301 : memref<128x128xf32, #tpu.memory_space<hbm>>)
    %dma_wait3A_306 = arith.constant 47 : i32
    %dma_wait3A_307 = arith.constant 5 : i32
    %dma_wait3A_308 = arith.constant 0 : i32
    %dma_wait3A_309 = arith.constant 0 : i32
    %dma_wait3A_310 = tpu.memref_slice %arg6[%dma_wait3A_307, %dma_wait3A_308, %dma_wait3A_309] : memref<6x128x128xf32, #tpu.memory_space<vmem>> -> memref<1x128x128xf32, #tpu.memory_space<vmem>>
    %dma_wait3A_311 = tpu.memref_squeeze %dma_wait3A_310 : memref<1x128x128xf32, #tpu.memory_space<vmem>> -> memref<128x128xf32, #tpu.memory_space<vmem>>
    %dma_wait3A_312 = arith.constant 0 : i32
    %dma_wait3A_313 = tpu.memref_slice %arg5[%dma_wait3A_306, %dma_wait3A_312] : memref<50x128xi32, #tpu.memory_space<vmem>> -> memref<1x128xi32, #tpu.memory_space<vmem>>
    %dma_wait3A_314 = tpu.memref_squeeze %dma_wait3A_313 : memref<1x128xi32, #tpu.memory_space<vmem>> -> memref<128xi32, #tpu.memory_space<vmem>>
    %dma_wait3A_315 = arith.constant 0 : i32
    %dma_wait3A_316 = arith.constant 0 : i32
    %dma_wait3A_317 = tpu.memref_slice %arg2[%dma_wait3A_315, %dma_wait3A_316] : memref<100001x128xf32, #tpu.memory_space<hbm>> -> memref<100001x128xf32, #tpu.memory_space<hbm>>
    tpu.wait_indirect_dma semaphore(%arg12 : memref<!tpu.dma_semaphore, #tpu.memory_space<semaphore_mem>>) src(%dma_wait3A_317 : memref<100001x128xf32, #tpu.memory_space<hbm>>) dst(%dma_wait3A_311 : memref<128x128xf32, #tpu.memory_space<vmem>>)
    %dma_start3A_318 = arith.constant 5 : i32
    %dma_start3A_319 = arith.constant 47 : i32
    %dma_start3A_320 = arith.constant 0 : i32
    %dma_start3A_321 = arith.constant 0 : i32
    %dma_start3A_322 = tpu.memref_slice %arg6[%dma_start3A_318, %dma_start3A_320, %dma_start3A_321] : memref<6x128x128xf32, #tpu.memory_space<vmem>> -> memref<1x128x128xf32, #tpu.memory_space<vmem>>
    %dma_start3A_323 = tpu.memref_squeeze %dma_start3A_322 : memref<1x128x128xf32, #tpu.memory_space<vmem>> -> memref<128x128xf32, #tpu.memory_space<vmem>>
    %dma_start3A_324 = arith.constant 0 : i32
    %dma_start3A_325 = tpu.memref_slice %arg4[%dma_start3A_319, %mul3A_2, %dma_start3A_324] : memref<50x4096x128xf32, #tpu.memory_space<hbm>> -> memref<1x128x128xf32, #tpu.memory_space<hbm>>
    %dma_start3A_326 = tpu.memref_squeeze %dma_start3A_325 : memref<1x128x128xf32, #tpu.memory_space<hbm>> -> memref<128x128xf32, #tpu.memory_space<hbm>>
    %dma_start3A_327 = arith.constant 0 : i32
    %dma_start3A_328 = tpu.memref_slice %arg4[%dma_start3A_319, %mul3A_2, %dma_start3A_327] : memref<50x4096x128xf32, #tpu.memory_space<hbm>> -> memref<1x128x128xf32, #tpu.memory_space<hbm>>
    %dma_start3A_329 = tpu.memref_squeeze %dma_start3A_328 : memref<1x128x128xf32, #tpu.memory_space<hbm>> -> memref<128x128xf32, #tpu.memory_space<hbm>>
    %dma_start3A_330 = arith.constant 0 : i32
    %dma_start3A_331 = arith.constant 0 : i32
    %dma_start3A_332 = tpu.memref_slice %arg6[%dma_start3A_318, %dma_start3A_330, %dma_start3A_331] : memref<6x128x128xf32, #tpu.memory_space<vmem>> -> memref<1x128x128xf32, #tpu.memory_space<vmem>>
    %dma_start3A_333 = tpu.memref_squeeze %dma_start3A_332 : memref<1x128x128xf32, #tpu.memory_space<vmem>> -> memref<128x128xf32, #tpu.memory_space<vmem>>
    tpu.enqueue_dma source(%dma_start3A_333 : memref<128x128xf32, #tpu.memory_space<vmem>>) target(%dma_start3A_329 : memref<128x128xf32, #tpu.memory_space<hbm>>) target_semaphore(%arg18 : memref<!tpu.dma_semaphore, #tpu.memory_space<semaphore_mem>>)
    %dma_wait3A_334 = arith.constant 4 : i32
    %dma_wait3A_335 = arith.constant 46 : i32
    %dma_wait3A_336 = arith.constant 0 : i32
    %dma_wait3A_337 = arith.constant 0 : i32
    %dma_wait3A_338 = tpu.memref_slice %arg6[%dma_wait3A_334, %dma_wait3A_336, %dma_wait3A_337] : memref<6x128x128xf32, #tpu.memory_space<vmem>> -> memref<1x128x128xf32, #tpu.memory_space<vmem>>
    %dma_wait3A_339 = tpu.memref_squeeze %dma_wait3A_338 : memref<1x128x128xf32, #tpu.memory_space<vmem>> -> memref<128x128xf32, #tpu.memory_space<vmem>>
    %dma_wait3A_340 = arith.constant 0 : i32
    %dma_wait3A_341 = tpu.memref_slice %arg4[%dma_wait3A_335, %mul3A_2, %dma_wait3A_340] : memref<50x4096x128xf32, #tpu.memory_space<hbm>> -> memref<1x128x128xf32, #tpu.memory_space<hbm>>
    %dma_wait3A_342 = tpu.memref_squeeze %dma_wait3A_341 : memref<1x128x128xf32, #tpu.memory_space<hbm>> -> memref<128x128xf32, #tpu.memory_space<hbm>>
    %dma_wait3A_343 = arith.constant 0 : i32
    %dma_wait3A_344 = tpu.memref_slice %arg4[%dma_wait3A_335, %mul3A_2, %dma_wait3A_343] : memref<50x4096x128xf32, #tpu.memory_space<hbm>> -> memref<1x128x128xf32, #tpu.memory_space<hbm>>
    %dma_wait3A_345 = tpu.memref_squeeze %dma_wait3A_344 : memref<1x128x128xf32, #tpu.memory_space<hbm>> -> memref<128x128xf32, #tpu.memory_space<hbm>>
    %dma_wait3A_346 = arith.constant 0 : i32
    %dma_wait3A_347 = arith.constant 0 : i32
    %dma_wait3A_348 = tpu.memref_slice %arg6[%dma_wait3A_334, %dma_wait3A_346, %dma_wait3A_347] : memref<6x128x128xf32, #tpu.memory_space<vmem>> -> memref<1x128x128xf32, #tpu.memory_space<vmem>>
    %dma_wait3A_349 = tpu.memref_squeeze %dma_wait3A_348 : memref<1x128x128xf32, #tpu.memory_space<vmem>> -> memref<128x128xf32, #tpu.memory_space<vmem>>
    tpu.wait_dma2 semaphore(%arg17 : memref<!tpu.dma_semaphore, #tpu.memory_space<semaphore_mem>>) src(%dma_wait3A_349 : memref<128x128xf32, #tpu.memory_space<vmem>>) dst(%dma_wait3A_345 : memref<128x128xf32, #tpu.memory_space<hbm>>)
    %dma_wait3A_350 = arith.constant 48 : i32
    %dma_wait3A_351 = arith.constant 0 : i32
    %dma_wait3A_352 = arith.constant 0 : i32
    %dma_wait3A_353 = arith.constant 0 : i32
    %dma_wait3A_354 = tpu.memref_slice %arg6[%dma_wait3A_351, %dma_wait3A_352, %dma_wait3A_353] : memref<6x128x128xf32, #tpu.memory_space<vmem>> -> memref<1x128x128xf32, #tpu.memory_space<vmem>>
    %dma_wait3A_355 = tpu.memref_squeeze %dma_wait3A_354 : memref<1x128x128xf32, #tpu.memory_space<vmem>> -> memref<128x128xf32, #tpu.memory_space<vmem>>
    %dma_wait3A_356 = arith.constant 0 : i32
    %dma_wait3A_357 = tpu.memref_slice %arg5[%dma_wait3A_350, %dma_wait3A_356] : memref<50x128xi32, #tpu.memory_space<vmem>> -> memref<1x128xi32, #tpu.memory_space<vmem>>
    %dma_wait3A_358 = tpu.memref_squeeze %dma_wait3A_357 : memref<1x128xi32, #tpu.memory_space<vmem>> -> memref<128xi32, #tpu.memory_space<vmem>>
    %dma_wait3A_359 = arith.constant 0 : i32
    %dma_wait3A_360 = arith.constant 0 : i32
    %dma_wait3A_361 = tpu.memref_slice %arg2[%dma_wait3A_359, %dma_wait3A_360] : memref<100001x128xf32, #tpu.memory_space<hbm>> -> memref<100001x128xf32, #tpu.memory_space<hbm>>
    tpu.wait_indirect_dma semaphore(%arg7 : memref<!tpu.dma_semaphore, #tpu.memory_space<semaphore_mem>>) src(%dma_wait3A_361 : memref<100001x128xf32, #tpu.memory_space<hbm>>) dst(%dma_wait3A_355 : memref<128x128xf32, #tpu.memory_space<vmem>>)
    %dma_start3A_362 = arith.constant 0 : i32
    %dma_start3A_363 = arith.constant 48 : i32
    %dma_start3A_364 = arith.constant 0 : i32
    %dma_start3A_365 = arith.constant 0 : i32
    %dma_start3A_366 = tpu.memref_slice %arg6[%dma_start3A_362, %dma_start3A_364, %dma_start3A_365] : memref<6x128x128xf32, #tpu.memory_space<vmem>> -> memref<1x128x128xf32, #tpu.memory_space<vmem>>
    %dma_start3A_367 = tpu.memref_squeeze %dma_start3A_366 : memref<1x128x128xf32, #tpu.memory_space<vmem>> -> memref<128x128xf32, #tpu.memory_space<vmem>>
    %dma_start3A_368 = arith.constant 0 : i32
    %dma_start3A_369 = tpu.memref_slice %arg4[%dma_start3A_363, %mul3A_2, %dma_start3A_368] : memref<50x4096x128xf32, #tpu.memory_space<hbm>> -> memref<1x128x128xf32, #tpu.memory_space<hbm>>
    %dma_start3A_370 = tpu.memref_squeeze %dma_start3A_369 : memref<1x128x128xf32, #tpu.memory_space<hbm>> -> memref<128x128xf32, #tpu.memory_space<hbm>>
    %dma_start3A_371 = arith.constant 0 : i32
    %dma_start3A_372 = tpu.memref_slice %arg4[%dma_start3A_363, %mul3A_2, %dma_start3A_371] : memref<50x4096x128xf32, #tpu.memory_space<hbm>> -> memref<1x128x128xf32, #tpu.memory_space<hbm>>
    %dma_start3A_373 = tpu.memref_squeeze %dma_start3A_372 : memref<1x128x128xf32, #tpu.memory_space<hbm>> -> memref<128x128xf32, #tpu.memory_space<hbm>>
    %dma_start3A_374 = arith.constant 0 : i32
    %dma_start3A_375 = arith.constant 0 : i32
    %dma_start3A_376 = tpu.memref_slice %arg6[%dma_start3A_362, %dma_start3A_374, %dma_start3A_375] : memref<6x128x128xf32, #tpu.memory_space<vmem>> -> memref<1x128x128xf32, #tpu.memory_space<vmem>>
    %dma_start3A_377 = tpu.memref_squeeze %dma_start3A_376 : memref<1x128x128xf32, #tpu.memory_space<vmem>> -> memref<128x128xf32, #tpu.memory_space<vmem>>
    tpu.enqueue_dma source(%dma_start3A_377 : memref<128x128xf32, #tpu.memory_space<vmem>>) target(%dma_start3A_373 : memref<128x128xf32, #tpu.memory_space<hbm>>) target_semaphore(%arg13 : memref<!tpu.dma_semaphore, #tpu.memory_space<semaphore_mem>>)
    %dma_wait3A_378 = arith.constant 5 : i32
    %dma_wait3A_379 = arith.constant 47 : i32
    %dma_wait3A_380 = arith.constant 0 : i32
    %dma_wait3A_381 = arith.constant 0 : i32
    %dma_wait3A_382 = tpu.memref_slice %arg6[%dma_wait3A_378, %dma_wait3A_380, %dma_wait3A_381] : memref<6x128x128xf32, #tpu.memory_space<vmem>> -> memref<1x128x128xf32, #tpu.memory_space<vmem>>
    %dma_wait3A_383 = tpu.memref_squeeze %dma_wait3A_382 : memref<1x128x128xf32, #tpu.memory_space<vmem>> -> memref<128x128xf32, #tpu.memory_space<vmem>>
    %dma_wait3A_384 = arith.constant 0 : i32
    %dma_wait3A_385 = tpu.memref_slice %arg4[%dma_wait3A_379, %mul3A_2, %dma_wait3A_384] : memref<50x4096x128xf32, #tpu.memory_space<hbm>> -> memref<1x128x128xf32, #tpu.memory_space<hbm>>
    %dma_wait3A_386 = tpu.memref_squeeze %dma_wait3A_385 : memref<1x128x128xf32, #tpu.memory_space<hbm>> -> memref<128x128xf32, #tpu.memory_space<hbm>>
    %dma_wait3A_387 = arith.constant 0 : i32
    %dma_wait3A_388 = tpu.memref_slice %arg4[%dma_wait3A_379, %mul3A_2, %dma_wait3A_387] : memref<50x4096x128xf32, #tpu.memory_space<hbm>> -> memref<1x128x128xf32, #tpu.memory_space<hbm>>
    %dma_wait3A_389 = tpu.memref_squeeze %dma_wait3A_388 : memref<1x128x128xf32, #tpu.memory_space<hbm>> -> memref<128x128xf32, #tpu.memory_space<hbm>>
    %dma_wait3A_390 = arith.constant 0 : i32
    %dma_wait3A_391 = arith.constant 0 : i32
    %dma_wait3A_392 = tpu.memref_slice %arg6[%dma_wait3A_378, %dma_wait3A_390, %dma_wait3A_391] : memref<6x128x128xf32, #tpu.memory_space<vmem>> -> memref<1x128x128xf32, #tpu.memory_space<vmem>>
    %dma_wait3A_393 = tpu.memref_squeeze %dma_wait3A_392 : memref<1x128x128xf32, #tpu.memory_space<vmem>> -> memref<128x128xf32, #tpu.memory_space<vmem>>
    tpu.wait_dma2 semaphore(%arg18 : memref<!tpu.dma_semaphore, #tpu.memory_space<semaphore_mem>>) src(%dma_wait3A_393 : memref<128x128xf32, #tpu.memory_space<vmem>>) dst(%dma_wait3A_389 : memref<128x128xf32, #tpu.memory_space<hbm>>)
    %dma_wait3A_394 = arith.constant 49 : i32
    %dma_wait3A_395 = arith.constant 1 : i32
    %dma_wait3A_396 = arith.constant 0 : i32
    %dma_wait3A_397 = arith.constant 0 : i32
    %dma_wait3A_398 = tpu.memref_slice %arg6[%dma_wait3A_395, %dma_wait3A_396, %dma_wait3A_397] : memref<6x128x128xf32, #tpu.memory_space<vmem>> -> memref<1x128x128xf32, #tpu.memory_space<vmem>>
    %dma_wait3A_399 = tpu.memref_squeeze %dma_wait3A_398 : memref<1x128x128xf32, #tpu.memory_space<vmem>> -> memref<128x128xf32, #tpu.memory_space<vmem>>
    %dma_wait3A_400 = arith.constant 0 : i32
    %dma_wait3A_401 = tpu.memref_slice %arg5[%dma_wait3A_394, %dma_wait3A_400] : memref<50x128xi32, #tpu.memory_space<vmem>> -> memref<1x128xi32, #tpu.memory_space<vmem>>
    %dma_wait3A_402 = tpu.memref_squeeze %dma_wait3A_401 : memref<1x128xi32, #tpu.memory_space<vmem>> -> memref<128xi32, #tpu.memory_space<vmem>>
    %dma_wait3A_403 = arith.constant 0 : i32
    %dma_wait3A_404 = arith.constant 0 : i32
    %dma_wait3A_405 = tpu.memref_slice %arg2[%dma_wait3A_403, %dma_wait3A_404] : memref<100001x128xf32, #tpu.memory_space<hbm>> -> memref<100001x128xf32, #tpu.memory_space<hbm>>
    tpu.wait_indirect_dma semaphore(%arg8 : memref<!tpu.dma_semaphore, #tpu.memory_space<semaphore_mem>>) src(%dma_wait3A_405 : memref<100001x128xf32, #tpu.memory_space<hbm>>) dst(%dma_wait3A_399 : memref<128x128xf32, #tpu.memory_space<vmem>>)
    %dma_start3A_406 = arith.constant 1 : i32
    %dma_start3A_407 = arith.constant 49 : i32
    %dma_start3A_408 = arith.constant 0 : i32
    %dma_start3A_409 = arith.constant 0 : i32
    %dma_start3A_410 = tpu.memref_slice %arg6[%dma_start3A_406, %dma_start3A_408, %dma_start3A_409] : memref<6x128x128xf32, #tpu.memory_space<vmem>> -> memref<1x128x128xf32, #tpu.memory_space<vmem>>
    %dma_start3A_411 = tpu.memref_squeeze %dma_start3A_410 : memref<1x128x128xf32, #tpu.memory_space<vmem>> -> memref<128x128xf32, #tpu.memory_space<vmem>>
    %dma_start3A_412 = arith.constant 0 : i32
    %dma_start3A_413 = tpu.memref_slice %arg4[%dma_start3A_407, %mul3A_2, %dma_start3A_412] : memref<50x4096x128xf32, #tpu.memory_space<hbm>> -> memref<1x128x128xf32, #tpu.memory_space<hbm>>
    %dma_start3A_414 = tpu.memref_squeeze %dma_start3A_413 : memref<1x128x128xf32, #tpu.memory_space<hbm>> -> memref<128x128xf32, #tpu.memory_space<hbm>>
    %dma_start3A_415 = arith.constant 0 : i32
    %dma_start3A_416 = tpu.memref_slice %arg4[%dma_start3A_407, %mul3A_2, %dma_start3A_415] : memref<50x4096x128xf32, #tpu.memory_space<hbm>> -> memref<1x128x128xf32, #tpu.memory_space<hbm>>
    %dma_start3A_417 = tpu.memref_squeeze %dma_start3A_416 : memref<1x128x128xf32, #tpu.memory_space<hbm>> -> memref<128x128xf32, #tpu.memory_space<hbm>>
    %dma_start3A_418 = arith.constant 0 : i32
    %dma_start3A_419 = arith.constant 0 : i32
    %dma_start3A_420 = tpu.memref_slice %arg6[%dma_start3A_406, %dma_start3A_418, %dma_start3A_419] : memref<6x128x128xf32, #tpu.memory_space<vmem>> -> memref<1x128x128xf32, #tpu.memory_space<vmem>>
    %dma_start3A_421 = tpu.memref_squeeze %dma_start3A_420 : memref<1x128x128xf32, #tpu.memory_space<vmem>> -> memref<128x128xf32, #tpu.memory_space<vmem>>
    tpu.enqueue_dma source(%dma_start3A_421 : memref<128x128xf32, #tpu.memory_space<vmem>>) target(%dma_start3A_417 : memref<128x128xf32, #tpu.memory_space<hbm>>) target_semaphore(%arg14 : memref<!tpu.dma_semaphore, #tpu.memory_space<semaphore_mem>>)
    %dma_wait3A_422 = arith.constant 0 : i32
    %dma_wait3A_423 = arith.constant 48 : i32
    %dma_wait3A_424 = arith.constant 0 : i32
    %dma_wait3A_425 = arith.constant 0 : i32
    %dma_wait3A_426 = tpu.memref_slice %arg6[%dma_wait3A_422, %dma_wait3A_424, %dma_wait3A_425] : memref<6x128x128xf32, #tpu.memory_space<vmem>> -> memref<1x128x128xf32, #tpu.memory_space<vmem>>
    %dma_wait3A_427 = tpu.memref_squeeze %dma_wait3A_426 : memref<1x128x128xf32, #tpu.memory_space<vmem>> -> memref<128x128xf32, #tpu.memory_space<vmem>>
    %dma_wait3A_428 = arith.constant 0 : i32
    %dma_wait3A_429 = tpu.memref_slice %arg4[%dma_wait3A_423, %mul3A_2, %dma_wait3A_428] : memref<50x4096x128xf32, #tpu.memory_space<hbm>> -> memref<1x128x128xf32, #tpu.memory_space<hbm>>
    %dma_wait3A_430 = tpu.memref_squeeze %dma_wait3A_429 : memref<1x128x128xf32, #tpu.memory_space<hbm>> -> memref<128x128xf32, #tpu.memory_space<hbm>>
    %dma_wait3A_431 = arith.constant 0 : i32
    %dma_wait3A_432 = tpu.memref_slice %arg4[%dma_wait3A_423, %mul3A_2, %dma_wait3A_431] : memref<50x4096x128xf32, #tpu.memory_space<hbm>> -> memref<1x128x128xf32, #tpu.memory_space<hbm>>
    %dma_wait3A_433 = tpu.memref_squeeze %dma_wait3A_432 : memref<1x128x128xf32, #tpu.memory_space<hbm>> -> memref<128x128xf32, #tpu.memory_space<hbm>>
    %dma_wait3A_434 = arith.constant 0 : i32
    %dma_wait3A_435 = arith.constant 0 : i32
    %dma_wait3A_436 = tpu.memref_slice %arg6[%dma_wait3A_422, %dma_wait3A_434, %dma_wait3A_435] : memref<6x128x128xf32, #tpu.memory_space<vmem>> -> memref<1x128x128xf32, #tpu.memory_space<vmem>>
    %dma_wait3A_437 = tpu.memref_squeeze %dma_wait3A_436 : memref<1x128x128xf32, #tpu.memory_space<vmem>> -> memref<128x128xf32, #tpu.memory_space<vmem>>
    tpu.wait_dma2 semaphore(%arg13 : memref<!tpu.dma_semaphore, #tpu.memory_space<semaphore_mem>>) src(%dma_wait3A_437 : memref<128x128xf32, #tpu.memory_space<vmem>>) dst(%dma_wait3A_433 : memref<128x128xf32, #tpu.memory_space<hbm>>)
    %dma_wait3A_438 = arith.constant 1 : i32
    %dma_wait3A_439 = arith.constant 49 : i32
    %dma_wait3A_440 = arith.constant 0 : i32
    %dma_wait3A_441 = arith.constant 0 : i32
    %dma_wait3A_442 = tpu.memref_slice %arg6[%dma_wait3A_438, %dma_wait3A_440, %dma_wait3A_441] : memref<6x128x128xf32, #tpu.memory_space<vmem>> -> memref<1x128x128xf32, #tpu.memory_space<vmem>>
    %dma_wait3A_443 = tpu.memref_squeeze %dma_wait3A_442 : memref<1x128x128xf32, #tpu.memory_space<vmem>> -> memref<128x128xf32, #tpu.memory_space<vmem>>
    %dma_wait3A_444 = arith.constant 0 : i32
    %dma_wait3A_445 = tpu.memref_slice %arg4[%dma_wait3A_439, %mul3A_2, %dma_wait3A_444] : memref<50x4096x128xf32, #tpu.memory_space<hbm>> -> memref<1x128x128xf32, #tpu.memory_space<hbm>>
    %dma_wait3A_446 = tpu.memref_squeeze %dma_wait3A_445 : memref<1x128x128xf32, #tpu.memory_space<hbm>> -> memref<128x128xf32, #tpu.memory_space<hbm>>
    %dma_wait3A_447 = arith.constant 0 : i32
    %dma_wait3A_448 = tpu.memref_slice %arg4[%dma_wait3A_439, %mul3A_2, %dma_wait3A_447] : memref<50x4096x128xf32, #tpu.memory_space<hbm>> -> memref<1x128x128xf32, #tpu.memory_space<hbm>>
    %dma_wait3A_449 = tpu.memref_squeeze %dma_wait3A_448 : memref<1x128x128xf32, #tpu.memory_space<hbm>> -> memref<128x128xf32, #tpu.memory_space<hbm>>
    %dma_wait3A_450 = arith.constant 0 : i32
    %dma_wait3A_451 = arith.constant 0 : i32
    %dma_wait3A_452 = tpu.memref_slice %arg6[%dma_wait3A_438, %dma_wait3A_450, %dma_wait3A_451] : memref<6x128x128xf32, #tpu.memory_space<vmem>> -> memref<1x128x128xf32, #tpu.memory_space<vmem>>
    %dma_wait3A_453 = tpu.memref_squeeze %dma_wait3A_452 : memref<1x128x128xf32, #tpu.memory_space<vmem>> -> memref<128x128xf32, #tpu.memory_space<vmem>>
    tpu.wait_dma2 semaphore(%arg14 : memref<!tpu.dma_semaphore, #tpu.memory_space<semaphore_mem>>) src(%dma_wait3A_453 : memref<128x128xf32, #tpu.memory_space<vmem>>) dst(%dma_wait3A_449 : memref<128x128xf32, #tpu.memory_space<hbm>>)
    return
  }
}

</mosaic_0001>

<sc_bundles>
// kernel: _emb_call.3.cloned.1.call-start
scs
__scs_entry_jumppad:
0x0: {  	(pc) =	sbr.rel $0x88, $3  }
0x1: {  	(tag) =	ssettag $0x0;
	lr =	simm.s32 $0x1  }
0x2: {  	[smem:$0x3F9F] =	sst lr;
	_ =	strace $0xD0000000  }
0x3: {  	_ = 	snop  }
0x4: {  	_ = 	snop  }
0x5: {  	_ = 	snop  }
0x6: {  	_ = 	snop  }
0x7: {  	_ = 	snop  }
__scs_overlays_trampoline_lowered:
0x8: {  	[smem:$0x3FAE] =	sst s0  }
0x9: {  	[smem:$0x3FAF] =	sst s1  }
0xa: {  	[smem:$0x3FB0] =	sst s2  }
0xb: {  	[smem:$0x3FB1] =	sst s3  }
0xc: {  	[smem:$0x3FB2] =	sst s4  }
0xd: {  	[smem:$0x3FB3] =	sst s5  }
0xe: {  	[smem:$0x3FB4] =	sst s6  }
0xf: {  	[smem:$0x3FB5] =	sst s7  }
0x10: {  	[smem:$0x3FB6] =	sst s8  }
0x11: {  	[smem:$0x3FB7] =	sst s9;
	s0 =	simm.s32 @!p0 $0x0  }
0x12: {  	s1 =	sld [smem:$0x3F9D];
	s0 =	simm.s32 @p0 $0x1  }
0x13: {  	[smem:$0x3FB8] =	sst s0;
	s0 =	simm.s32 @!p1 $0x0  }
0x14: {  	s2 =	sld [smem:$0x3F9C];
	s0 =	simm.s32 @p1 $0x1  }
0x15: {  	[smem:$0x3FB9] =	sst s0;
	s0 =	simm.s32 @!p2 $0x0  }
0x16: {  	s3 =	sld [smem:$0x3FDB];
	s0 =	simm.s32 @p2 $0x1  }
0x17: {  	s4 =	simm.s32 $0x1BF5;
	[smem:$0x3FBB] =	sst s0  }
0x18: {  	s0 =	sld [smem:$0x3F9E];
	_ =	swait.ge [sflag:s4], $0x0  }
0x19: {  	s7 =	sld [smem:$0x3F9F]  }
0x1a: {  	s8 =	sadd.s32 $0xFFFFE003, lr  }
0x1b: {  	s9 =	sadd.s32 $0xFFFFFEF7, lr;
	s5 =	simm.s32 $0xFFFFFFFF;
	p2 =	slt.u32 s8, $0xFFFFF086  }
0x1c: {  	p1 =	slt.u32 s9, $0xF7A;
	s5 =	simm.s32 @!p2 $0x0  }
0x1d: {  	s5 =	simm.s32 @p1 $0x1;
	p0 =	seq.s32 s7, s2  }
0x1e: {  	s7 =	smul.u32 @!p0 $0xF7A, s2;
	p2 =	seq.s32 @!p0 s5, $0x0  }
0x1f: {  	s9 =	smul.u32 $0xF7A, s1;
	s8 =	simm.s32 @!p0 $0x1BF5;
	p2 =	por !p2, p0  }
0x20: {  	[sflag:s8] =	ssyncset.s32 @!p0 $0xFFFFF086;
	s6 =	sadd.s32 @!p0 s3, s7;
	s7 =	simm.s32 @!p0 $0x108  }
0x21: {  	s3 =	sadd.s32 s3, s9;
	s6 =	sadd.s32 @!p0 $0x88, s6;
	s7 =	simm.s32 @p2 $0x1082  }
0x22: {  	[simem:s7], [sflag:s8] =	dma.local @!p0 [hbm:s6], $0xF7A  }
0x23: {  	s9 =	sor.u32 $0xD0000000, s2;
	s6 =	simm.s32 $0x108;
	_ =	swait.ge @!p0 [sflag:s8], $0x0  }
0x24: {  	s3 =	sadd.s32 $0x88, s3;
	s6 =	simm.s32 @!p1 $0x1082;
	[sflag:s4] =	ssyncset.s32 $0xFFFFF086  }
0x25: {  	[simem:s6], [sflag:s4] =	dma.local [hbm:s3], $0xF7A  }
0x26: {  	[smem:$0x3F9F] =	sst s1;
	(tag) =	ssettag s2;
	_ =	strace s9  }
0x27: {  	s1 =	sld [smem:$0x3FAF]  }
0x28: {  	s2 =	sld [smem:$0x3FB0]  }
0x29: {  	s4 =	sld [smem:$0x3FB2]  }
0x2a: {  	p0 =	seq.s32 s5, $0x0;
	s5 =	sld [smem:$0x3FB3]  }
0x2b: {  	s6 =	sld [smem:$0x3FB4]  }
0x2c: {  	s7 =	sld [smem:$0x3FB5]  }
0x2d: {  	s3 =	simm.s32 $0x108;
	s8 =	sld [smem:$0x3FB6]  }
0x2e: {  	s3 =	simm.s32 @!p0 $0x1082;
	s9 =	sld [smem:$0x3FB7]  }
0x2f: {  	lr =	sadd.s32 s0, s3;
	s0 =	sld [smem:$0x3FAE]  }
0x30: {  	s3 =	sld [smem:$0x3FB1]  }
0x31: {  	[smem:$0x3FBA] =	sst s10  }
0x32: {  	s10 =	sld [smem:$0x3FB8];
	_ =	sdelay $0x3  }
0x33: {  	p0 =	seq.s32 s10, $0x1;
	s10 =	sld [smem:$0x3FBA];
	_ =	sdelay $0x3  }
0x34: {  	[smem:$0x3FBA] =	sst s10  }
0x35: {  	s10 =	sld [smem:$0x3FB9];
	_ =	sdelay $0x3  }
0x36: {  	p1 =	seq.s32 s10, $0x1;
	s10 =	sld [smem:$0x3FBA];
	_ =	sdelay $0x3  }
0x37: {  	[smem:$0x3FBA] =	sst s10  }
0x38: {  	s10 =	sld [smem:$0x3FBB]  }
0x39: {  	_ = 	snop;
	(pc) =	sbr.ind lr, $3  }
0x3a: {  	_ = 	snop  }
0x3b: {  	_ = 	snop  }
0x3c: {  	p2 =	seq.s32 s10, $0x1;
	s10 =	sld [smem:$0x3FBA]  }
0x3d: {  	_ =	shalt  }
0x3e: {  	_ =	shalt  }
0x3f: {  	_ =	shalt  }
0x40: {  	_ =	shalt  }
0x41: {  	_ =	shalt  }
0x42: {  	_ =	shalt  }
0x43: {  	_ =	shalt  }
0x44: {  	_ =	shalt  }
0x45: {  	_ =	shalt  }
0x46: {  	_ =	shalt  }
0x47: {  	_ =	shalt  }
0x48: {  	_ =	shalt  }
0x49: {  	_ =	shalt  }
0x4a: {  	_ =	shalt  }
0x4b: {  	_ =	shalt  }
0x4c: {  	_ =	shalt  }
0x4d: {  	_ =	shalt  }
0x4e: {  	_ =	shalt  }
0x4f: {  	_ =	shalt  }
0x50: {  	_ =	shalt  }
0x51: {  	_ =	shalt  }
0x52: {  	_ =	shalt  }
0x53: {  	_ =	shalt  }
0x54: {  	_ =	shalt  }
0x55: {  	_ =	shalt  }
0x56: {  	_ =	shalt  }
0x57: {  	_ =	shalt  }
0x58: {  	_ =	shalt  }
0x59: {  	_ =	shalt  }
0x5a: {  	_ =	shalt  }
0x5b: {  	_ =	shalt  }
0x5c: {  	_ =	shalt  }
0x5d: {  	_ =	shalt  }
0x5e: {  	_ =	shalt  }
0x5f: {  	_ =	shalt  }
0x60: {  	_ =	shalt  }
0x61: {  	_ =	shalt  }
0x62: {  	_ =	shalt  }
0x63: {  	_ =	shalt  }
0x64: {  	_ =	shalt  }
0x65: {  	_ =	shalt  }
0x66: {  	_ =	shalt  }
0x67: {  	_ =	shalt  }
0x68: {  	_ =	shalt  }
0x69: {  	_ =	shalt  }
0x6a: {  	_ =	shalt  }
0x6b: {  	_ =	shalt  }
0x6c: {  	_ =	shalt  }
0x6d: {  	_ =	shalt  }
0x6e: {  	_ =	shalt  }
0x6f: {  	_ =	shalt  }
0x70: {  	_ =	shalt  }
0x71: {  	_ =	shalt  }
0x72: {  	_ =	shalt  }
0x73: {  	_ =	shalt  }
0x74: {  	_ =	shalt  }
0x75: {  	_ =	shalt  }
0x76: {  	_ =	shalt  }
0x77: {  	_ =	shalt  }
0x78: {  	_ =	shalt  }
0x79: {  	_ =	shalt  }
0x7a: {  	_ =	shalt  }
0x7b: {  	_ =	shalt  }
0x7c: {  	_ =	shalt  }
0x7d: {  	_ =	shalt  }
0x7e: {  	_ =	shalt  }
0x7f: {  	_ =	shalt  }
0x80: {  	_ =	shalt  }
0x81: {  	_ =	shalt  }
0x82: {  	_ =	shalt  }
0x83: {  	_ =	shalt  }
0x84: {  	_ =	shalt  }
0x85: {  	_ =	shalt  }
0x86: {  	_ =	shalt  }
0x87: {  	_ =	shalt  }
.Lfunc_end0:
.L_simem_size_0:
called_computation_lowered:
.L_overlay_start_0:
0x88: {  	s2 =	sld [smem:$0x3FD9]  }
0x89: {  	s3 =	sld [smem:$0x3FFE];
	_ =	sdelay $0x1  }
0x8a: {  	s1 =	srdreg.scid  }
0x8b: {  	s0 =	sand.u32 $0x1, s1  }
0x8c: {  	s18 =	sshll.u32 s0, $0xA;
	s2 =	sadd.s32 s3, s2  }
0x8d: {  	s2 =	sadd.s32 s2, s18  }
0x8e: {  	[smem:$0x3FC6] =	sst s2  }
0x8f: {  	_ = 	snop  }
0x90: {  	s2 =	sld [smem:$0x3FC9]  }
0x91: {  	s19 =	sld [smem:$0x3FC8]  }
0x92: {  	s4 =	sld [smem:$0x3FD0];
	(tm) =	ssettm $0x1  }
0x93: {  	s5 =	sld [smem:$0x3FFB];
	_ =	sdelay $0x3  }
0x94: {  	_ =	strace s5  }
0x95: {  	s5 =	sld [smem:$0x3FFC];
	_ =	sdelay $0x3  }
0x96: {  	_ =	strace s5  }
0x97: {  	s5 =	sld [smem:$0x3FFD];
	_ =	sdelay $0x3  }
0x98: {  	_ =	strace s5  }
0x99: {  	_ =	strace $0x8FFFFFFF  }
0x9a: {  	s20 =	sld [smem:$0x3FDB];
	_ =	sdelay $0x1  }
0x9b: {  	s6 =	simm.s32 $_scs_section_size  }
0x9c: {  	s7 =	simm.s32 $_size__tile_overlayer_lowered;
	s8 =	simm.s32 $_tile_overlayer_lowered  }
0x9d: {  	s23 =	simm.s32 $0x1BFF;
	s22 =	sshll.u32 s8, $0x1;
	s5 =	sadd.s32 s6, s20  }
0x9e: {  	s9 =	simm.s32 $0x0;
	s21 =	sshll.u32 s7, $0x1;
	s7 =	sadd.s32 s22, s5  }
0x9f: {  	[timem:s9], [sflag:s23] =	dma.local [hbm:s7], s21  }
0xa0: {  	_ =	swait.ge [sflag:s23], s21  }
0xa1: {  	s6 =	ssub.s32 $0x0, s21;
	[sflag:s23] =	ssyncset.done $0x0  }
0xa2: {  	[sflag:s23] =	ssyncadd.s32 s6;
	_ =	sdelay $0x1  }
0xa3: {  	s24 =	simm.s32 $0x1B8B  }
0xa4: {  	_ =	swait.ge [sflag:s24], $0x1  }
0xa5: {  	[sflag:s24] =	ssyncset.done $0x0  }
0xa6: {  	s25 =	simm.s32 $0x1B8E;
	[sflag:s24] =	ssyncadd.s32 $0xFFFFFFFF  }
0xa7: {  	s26 =	simm.s32 $execute0_lowered;
	[smem:$0x3FD2] =	sst s25  }
0xa8: {  	s6 =	sshll.u32 s26, $0x1;
	_ =	strace $0x80000046;
	[dreg:$0x1] =	wrdreg $0xFFFFFFFF  }
0xa9: {  	s28 =	simm.s32 $_size_execute0_lowered;
	s5 =	sadd.s32 s5, s6;
	[dreg:$0x0] =	wrdreg $0x0  }
0xaa: {  	s6 =	sshll.u32 s28, $0x1;
	[dreg:$0x2] =	wrdreg s5  }
0xab: {  	[dreg:$0x3] =	wrdreg s6  }
0xac: {  	[dreg:$0x4] =	wrdreg $0xC0  }
0xad: {  	_ =	task [dreg:s9], $0x5FFFF  }
0xae: {  	[dreg:$0x1] =	wrdreg $0xFFFFFFFF  }
0xaf: {  	[dreg:$0x0] =	wrdreg $0x60  }
0xb0: {  	[dreg:$0x2] =	wrdreg s2  }
0xb1: {  	[dreg:$0x3] =	wrdreg s19  }
0xb2: {  	[dreg:$0x4] =	wrdreg s4  }
0xb3: {  	[dreg:$0x5] =	wrdreg $0x9  }
0xb4: {  	_ =	task.clear_ibuf [dreg:s9], $0x6FFFF;
	_ =	strace $0x90000046  }
0xb5: {  	s29 =	simm.s32 $0x9;
	_ =	strace $0x80000048  }
0xb6: {  	_ =	swait.ge [sflag:s29], $0x1  }
0xb7: {  	[sflag:s29] =	ssyncadd.s32 $0xFFFFFFFF  }
0xb8: {  	_ =	strace $0x90000048  }
0xb9: {  	_ =	sfence  }
0xba: {  	s30 =	sld [smem:$0x0];
	_ =	sdelay $0x2  }
0xbb: {  	s31 =	sshll.u32 s1, $0xD;
	s1 =	sshrl.u32 s1, $0x2  }
0xbc: {  	s3 =	sand.u32 $0x4000, s31;
	s1 =	sadd.s32 s1, s30  }
0xbd: {  	s0 =	sor.u32 s3, s0;
	s1 =	sshll.u32 s1, $0x11  }
0xbe: {  	s0 =	sor.u32 s1, s0  }
0xbf: {  	s0 =	sadd.s32 $0x8F2B, s0  }
0xc0: {  	[sflag:s0] =	ssyncadd.remote.s32 $0x1  }
0xc1: {  	_ =	sfence.sel $0xFFFF  }
0xc2: {  	[dreg:$0x0] =	wrdreg $0xFFFFFFFF;
	(pc) =	sbr.abs _section_cstart, $3  }
0xc3: {  	[dreg:$0x1] =	wrdreg $0xFFFFFFFF  }
0xc4: {  	_ =	task.clear_ibuf [dreg:s9], $0x2FFFF;
	_ =	strace $0x9FFFFFFF  }
0xc5: {  	(tm) =	ssettm $0x7FFFFFFF  }
tec
execute0_lowered:
.L_overlay_start_1:
0x0: {  	(tag) =	ssettag $0x1  }
0x1: {  	s1 =	rddreg [dreg:$0x0]  }
0x2: {  	s0 =	rddreg [dreg:$0x1]  }
0x3: {  	s24 =	rddreg [dreg:$0x2]  }
0x4: {  	s2 =	srdreg.scid;
	s3 =	stileid.u32  }
0x5: {  	s4 =	simm.s32 $0x0;
	s28 =	simm.s32 $0x1;
	s2 =	sand.u32 $0x1, s2  }
0x6: {  	s29 =	simm.s32 $0x1C00;
	s5 =	sshll.u32 s3, $0x8;
	s6 =	sshll.u32 s2, $0x7  }
0x7: {  	[smem:$0x7FF] =	sst s4;
	s7 =	ssub.s32 $0x2, s2;
	s5 =	sor.u32 s6, s5  }
0x8: {  	_ =	strace $0x80000047;
	s31 =	sshrl.u32 s7, $0x1;
	s0 =	sadd.s32 s0, s5  }
0x9: {  	s8 =	sshll.u32 s5, $0x4;
	[dreg:$0x4] =	wrdreg s0;
	s0 =	sadd.s32 $0x6000, s0  }
0xa: {  	s6 =	ssub.s32 s7, s31;
	s9 =	sadd.s32 s24, s8;
	[dreg:$0x6] =	wrdreg s0  }
0xb: {  	s30 =	simm.s32 $0x15C00;
	s20 =	smax.u32 s6, $0x1;
	[dreg:$0x5] =	wrdreg s9  }
0xc: {  	s13 =	sshll.u32 s3, $0xF;
	s10 =	sadd.s32 $0x10000, s9;
	[dreg:$0xe] =	wrdreg s20  }
0xd: {  	s2 =	sshll.u32 s2, $0xE;
	s11 =	sadd.s32 $0x2C0000, s9;
	[dreg:$0x7] =	wrdreg s10  }
0xe: {  	s7 =	simm.s32 $0x7;
	s12 =	sadd.s32 $0x2D0000, s9;
	[dreg:$0x8] =	wrdreg s11  }
0xf: {  	s8 =	simm.s32 $0x3;
	s14 =	sadd.s32 $0x2E0000, s9;
	[dreg:$0x9] =	wrdreg s12  }
0x10: {  	s15 =	sadd.s32 $0x2F0000, s9;
	s0 =	sor.u32 s2, s13;
	[dreg:$0xa] =	wrdreg s14  }
0x11: {  	s16 =	sadd.s32 $0x300000, s9;
	s19 =	sadd.s32 $0x310000, s9;
	[dreg:$0xb] =	wrdreg s15  }
0x12: {  	s9 =	simm.s32 $0x8;
	s13 =	simm.s32 $0x6;
	[dreg:$0xc] =	wrdreg s16  }
0x13: {  	s17 =	sor.u32 $0x280000, s0;
	s18 =	sor.u32 $0x200000, s0;
	[dreg:$0xd] =	wrdreg s19  }
0x14: {  	s22 =	sor.u32 $0x180000, s0;
	s23 =	sor.u32 $0x100000, s0;
	s25 =	sor.u32 $0x380000, s0  }
0x15: {  	s0 =	sor.u32 $0x300000, s0;
	s10 =	simm.s32 $0x4;
	s11 =	simm.s32 $0x9  }
0x16: {  	s12 =	simm.s32 $0x5;
	s14 =	simm.s32 $0xB;
	s15 =	simm.s32 $0xC  }
0x17: {  	s2 =	sshrl.u32 s17, $0x3;
	s5 =	sshrl.u32 s18, $0x3;
	s6 =	sshrl.u32 s25, $0x3  }
0x18: {  	[dreg:$0x14] =	wrdreg s0;
	s17 =	simm.s32 $0x1800;
	s2 =	sadd.s32 s2, s24  }
0x19: {  	s0 =	simm.s32 $0x2;
	s21 =	sadd.s32 s5, s24;
	[dreg:$0xf] =	wrdreg s2  }
0x1a: {  	s5 =	sshrl.u32 s23, $0x3;
	s31 =	sadd.s32 s6, s24;
	[dreg:$0x10] =	wrdreg s21  }
0x1b: {  	s2 =	sshrl.u32 s22, $0x3;
	s26 =	sadd.s32 s5, s24;
	[dreg:$0x13] =	wrdreg s31  }
0x1c: {  	s5 =	simm.s32 $0xA;
	s2 =	sadd.s32 s2, s24;
	[dreg:$0x12] =	wrdreg s26  }
0x1d: {  	s26 =	simm.s32 $0x80;
	[dreg:$0x11] =	wrdreg s2;
	s2 =	simm.s32 $0x0  }
.LBB2_1:
0x1e: {  	[dreg:$0x15] =	wrdreg s2  }
0x1f: {  	s3 =	rddreg [dreg:$0x4];
	s6 =	simm.s32 $0x400;
	s16 =	simm.s32 $0x8000  }
0x20: {  	[tilespmem:s4], [sflag:$0xD] =	stream.strided.gather [hbm4b:s3+s6], $0x1800, s16, s6, $0x38;
	[tilespmem:$0x19C00] =	vst v63  }
0x21: {  	s25 =	rddreg [dreg:$0x6];
	s31 =	simm.s32 $0xD  }
0x22: {  	[tilespmem:s17], [sflag:$0xD] =	stream.linear.gather [hbm4b:s25+s4], $0x100, $0x38;
	[tilespmem:$0x19C00] =	vst v63  }
0x23: {  	_ =	swait.ge [sflag:s31], $0x1900  }
0x24: {  	[sflag:s31] =	ssyncset.done $0x0  }
0x25: {  	s16 =	simm.s32 $0x1C00;
	[sflag:s31] =	ssyncadd.s32 $0xFFFFE700  }
0x26: {  	[tilespmem:s16], [sflag:$0x1] =	stream.indirect.gather [hbm4b:s1+s26], $0x80, s4, s26, $0xb8;
	[tilespmem:$0x19C00] =	vst v63  }
0x27: {  	s17 =	simm.s32 $0x5C00  }
0x28: {  	[tilespmem:s17], [sflag:$0x2] =	stream.indirect.gather [hbm4b:s1+s26], $0x80, s26, s26, $0xb8;
	[tilespmem:$0x19C00] =	vst v63  }
0x29: {  	s2 =	simm.s32 $0x100;
	s19 =	simm.s32 $0x9C00  }
0x2a: {  	[tilespmem:s19], [sflag:$0x3] =	stream.indirect.gather [hbm4b:s1+s26], $0x80, s2, s26, $0xb8;
	[tilespmem:$0x19C00] =	vst v63  }
0x2b: {  	s21 =	simm.s32 $0xDC00;
	s3 =	simm.s32 $0x180  }
0x2c: {  	[tilespmem:s21], [sflag:$0x4] =	stream.indirect.gather [hbm4b:s1+s26], $0x80, s3, s26, $0xb8;
	[tilespmem:$0x19C00] =	vst v63  }
0x2d: {  	s23 =	simm.s32 $0x11C00;
	s6 =	simm.s32 $0x200  }
0x2e: {  	[tilespmem:s23], [sflag:$0x5] =	stream.indirect.gather [hbm4b:s1+s26], $0x80, s6, s26, $0xb8;
	[tilespmem:$0x19C00] =	vst v63  }
0x2f: {  	_ =	swait.ge [sflag:s28], $0x4000  }
0x30: {  	[sflag:s28] =	ssyncset.done $0x0  }
0x31: {  	s18 =	rddreg [dreg:$0x5];
	[sflag:s28] =	ssyncadd.s32 $0xFFFFC000  }
0x32: {  	[hbm4b:s18+s4] =	stream.linear.scatter [tilespmem:s16], [sflag:$0x7], $0x4000, $0x38;
	[tilespmem:$0x19C00] =	vst v63  }
0x33: {  	s20 =	simm.s32 $0x280;
	s22 =	simm.s32 $0x15C00  }
0x34: {  	[tilespmem:s22], [sflag:$0x6] =	stream.indirect.gather [hbm4b:s1+s26], $0x80, s20, s26, $0xb8;
	[tilespmem:$0x19C00] =	vst v63  }
0x35: {  	_ =	swait.ge [sflag:s0], $0x4000  }
0x36: {  	[sflag:s0] =	ssyncset.done $0x0  }
0x37: {  	s25 =	rddreg [dreg:$0x7];
	[sflag:s0] =	ssyncadd.s32 $0xFFFFC000  }
0x38: {  	[hbm4b:s25+s4] =	stream.linear.scatter [tilespmem:s17], [sflag:$0x8], $0x4000, $0x38;
	[tilespmem:$0x19C00] =	vst v63  }
0x39: {  	_ =	swait.ge [sflag:s7], $0x4000  }
0x3a: {  	[sflag:s7] =	ssyncset.done $0x0  }
0x3b: {  	s31 =	simm.s32 $0x300;
	[sflag:s7] =	ssyncadd.s32 $0xFFFFC000  }
0x3c: {  	[tilespmem:s16], [sflag:$0x1] =	stream.indirect.gather [hbm4b:s1+s26], $0x80, s31, s26, $0xb8;
	[tilespmem:$0x19C00] =	vst v63  }
0x3d: {  	_ =	swait.ge [sflag:s8], $0x4000  }
0x3e: {  	[sflag:s8] =	ssyncset.done $0x0  }
0x3f: {  	s18 =	rddreg [dreg:$0x12];
	[sflag:s8] =	ssyncadd.s32 $0xFFFFC000  }
0x40: {  	[hbm4b:s18+s4] =	stream.linear.scatter [tilespmem:s19], [sflag:$0x9], $0x4000, $0x38;
	[tilespmem:$0x19C00] =	vst v63  }
0x41: {  	_ =	swait.ge [sflag:s9], $0x4000  }
0x42: {  	[sflag:s9] =	ssyncset.done $0x0  }
0x43: {  	s2 =	simm.s32 $0x380;
	[sflag:s9] =	ssyncadd.s32 $0xFFFFC000  }
0x44: {  	[tilespmem:s17], [sflag:$0x2] =	stream.indirect.gather [hbm4b:s1+s26], $0x80, s2, s26, $0xb8;
	[tilespmem:$0x19C00] =	vst v63  }
0x45: {  	_ =	swait.ge [sflag:s10], $0x4000  }
0x46: {  	[sflag:s10] =	ssyncset.done $0x0  }
0x47: {  	s3 =	rddreg [dreg:$0x11];
	[sflag:s10] =	ssyncadd.s32 $0xFFFFC000  }
0x48: {  	[hbm4b:s3+s4] =	stream.linear.scatter [tilespmem:s21], [sflag:$0xA], $0x4000, $0x38;
	[tilespmem:$0x19C00] =	vst v63  }
0x49: {  	_ =	swait.ge [sflag:s11], $0x4000  }
0x4a: {  	[sflag:s11] =	ssyncset.done $0x0  }
0x4b: {  	s25 =	simm.s32 $0x400;
	[sflag:s11] =	ssyncadd.s32 $0xFFFFC000  }
0x4c: {  	[tilespmem:s19], [sflag:$0x3] =	stream.indirect.gather [hbm4b:s1+s26], $0x80, s25, s26, $0xb8;
	[tilespmem:$0x19C00] =	vst v63  }
0x4d: {  	_ =	swait.ge [sflag:s12], $0x4000  }
0x4e: {  	[sflag:s12] =	ssyncset.done $0x0  }
0x4f: {  	s20 =	rddreg [dreg:$0x10];
	[sflag:s12] =	ssyncadd.s32 $0xFFFFC000  }
0x50: {  	[hbm4b:s20+s4] =	stream.linear.scatter [tilespmem:s23], [sflag:$0xB], $0x4000, $0x38;
	[tilespmem:$0x19C00] =	vst v63  }
0x51: {  	_ =	swait.ge [sflag:s5], $0x4000  }
0x52: {  	[sflag:s5] =	ssyncset.done $0x0  }
0x53: {  	s31 =	simm.s32 $0x480;
	[sflag:s5] =	ssyncadd.s32 $0xFFFFC000  }
0x54: {  	[tilespmem:s21], [sflag:$0x4] =	stream.indirect.gather [hbm4b:s1+s26], $0x80, s31, s26, $0xb8;
	[tilespmem:$0x19C00] =	vst v63  }
0x55: {  	_ =	swait.ge [sflag:s13], $0x4000  }
0x56: {  	[sflag:s13] =	ssyncset.done $0x0  }
0x57: {  	s2 =	rddreg [dreg:$0xf];
	[sflag:s13] =	ssyncadd.s32 $0xFFFFC000  }
0x58: {  	[hbm4b:s2+s4] =	stream.linear.scatter [tilespmem:s22], [sflag:$0xC], $0x4000, $0x38;
	[tilespmem:$0x19C00] =	vst v63  }
0x59: {  	_ =	swait.ge [sflag:s14], $0x4000  }
0x5a: {  	[sflag:s14] =	ssyncset.done $0x0  }
0x5b: {  	s19 =	simm.s32 $0x500;
	[sflag:s14] =	ssyncadd.s32 $0xFFFFC000  }
0x5c: {  	[tilespmem:s23], [sflag:$0x5] =	stream.indirect.gather [hbm4b:s1+s26], $0x80, s19, s26, $0xb8;
	[tilespmem:$0x19C00] =	vst v63  }
0x5d: {  	_ =	swait.ge [sflag:s28], $0x4000  }
0x5e: {  	s21 =	rddreg [dreg:$0x14]  }
0x5f: {  	[sflag:s28] =	ssyncset.done $0x0;
	s23 =	sshrl.u32 s21, $0x3  }
0x60: {  	[sflag:s28] =	ssyncadd.s32 $0xFFFFC000;
	s6 =	sadd.s32 s24, s23  }
0x61: {  	[hbm4b:s6+s4] =	stream.linear.scatter [tilespmem:s16], [sflag:$0x7], $0x4000, $0x38;
	[tilespmem:$0x19C00] =	vst v63  }
0x62: {  	_ =	swait.ge [sflag:s15], $0x4000  }
0x63: {  	s18 =	sadd.s32 $0x60000, s18;
	s17 =	sadd.s32 $0x60000, s3;
	[sflag:s15] =	ssyncset.done $0x0  }
0x64: {  	s25 =	simm.s32 $0x580;
	s19 =	sadd.s32 $0x60000, s2;
	[sflag:s15] =	ssyncadd.s32 $0xFFFFC000  }
0x65: {  	[tilespmem:s22], [sflag:$0x6] =	stream.indirect.gather [hbm4b:s1+s26], $0x80, s25, s26, $0xb8;
	[tilespmem:$0x19C00] =	vst v63  }
0x66: {  	s6 =	simm.s32 $0xC00;
	s16 =	sadd.s32 $0x300000, s21;
	_ =	swait.ge [sflag:s0], $0x4000  }
0x67: {  	s21 =	sadd.s32 $0x60000, s20;
	s31 =	rddreg [dreg:$0x13];
	[sflag:s0] =	ssyncset.done $0x0  }
0x68: {  	s25 =	sadd.s32 $0x60000, s31;
	[sflag:s0] =	ssyncadd.s32 $0xFFFFC000;
	s20 =	smov.u32 s31  }
.LBB2_2:
0x69: {  	s31 =	simm.s32 $0x5C00  }
0x6a: {  	[hbm4b:s20+s4] =	stream.linear.scatter [tilespmem:s31], [sflag:$0x8], $0x4000, $0x38;
	[tilespmem:$0x19C00] =	vst v63  }
0x6b: {  	s24 =	smov.u32 s6;
	_ =	swait.ge [sflag:s7], $0x4000  }
0x6c: {  	s24 =	sshra.s32 s24, $0x2;
	[sflag:s7] =	ssyncset.done $0x0  }
0x6d: {  	s3 =	sadd.s32 $0x300, s24;
	[sflag:s7] =	ssyncadd.s32 $0xFFFFC000  }
0x6e: {  	[tilespmem:s29], [sflag:$0x1] =	stream.indirect.gather [hbm4b:s1+s26], $0x80, s3, s26, $0xb8;
	[tilespmem:$0x19C00] =	vst v63  }
0x6f: {  	_ =	swait.ge [sflag:s8], $0x4000  }
0x70: {  	[sflag:s8] =	ssyncset.done $0x0  }
0x71: {  	s2 =	simm.s32 $0x9C00;
	[sflag:s8] =	ssyncadd.s32 $0xFFFFC000  }
0x72: {  	[hbm4b:s18+s4] =	stream.linear.scatter [tilespmem:s2], [sflag:$0x9], $0x4000, $0x38;
	[tilespmem:$0x19C00] =	vst v63  }
0x73: {  	_ =	swait.ge [sflag:s9], $0x4000  }
0x74: {  	[sflag:s9] =	ssyncset.done $0x0  }
0x75: {  	s23 =	sadd.s32 $0x380, s24;
	[sflag:s9] =	ssyncadd.s32 $0xFFFFC000  }
0x76: {  	[tilespmem:s31], [sflag:$0x2] =	stream.indirect.gather [hbm4b:s1+s26], $0x80, s23, s26, $0xb8;
	[tilespmem:$0x19C00] =	vst v63  }
0x77: {  	_ =	swait.ge [sflag:s10], $0x4000  }
0x78: {  	[sflag:s10] =	ssyncset.done $0x0  }
0x79: {  	s23 =	simm.s32 $0xDC00;
	[sflag:s10] =	ssyncadd.s32 $0xFFFFC000  }
0x7a: {  	[hbm4b:s17+s4] =	stream.linear.scatter [tilespmem:s23], [sflag:$0xA], $0x4000, $0x38;
	[tilespmem:$0x19C00] =	vst v63  }
0x7b: {  	_ =	swait.ge [sflag:s11], $0x4000  }
0x7c: {  	[sflag:s11] =	ssyncset.done $0x0  }
0x7d: {  	s22 =	sadd.s32 $0x400, s24;
	[sflag:s11] =	ssyncadd.s32 $0xFFFFC000  }
0x7e: {  	[tilespmem:s2], [sflag:$0x3] =	stream.indirect.gather [hbm4b:s1+s26], $0x80, s22, s26, $0xb8;
	[tilespmem:$0x19C00] =	vst v63  }
0x7f: {  	_ =	swait.ge [sflag:s12], $0x4000  }
0x80: {  	[sflag:s12] =	ssyncset.done $0x0  }
0x81: {  	s22 =	simm.s32 $0x11C00;
	[sflag:s12] =	ssyncadd.s32 $0xFFFFC000  }
0x82: {  	[hbm4b:s21+s4] =	stream.linear.scatter [tilespmem:s22], [sflag:$0xB], $0x4000, $0x38;
	[tilespmem:$0x19C00] =	vst v63  }
0x83: {  	_ =	swait.ge [sflag:s5], $0x4000  }
0x84: {  	[sflag:s5] =	ssyncset.done $0x0  }
0x85: {  	s3 =	sadd.s32 $0x480, s24;
	[sflag:s5] =	ssyncadd.s32 $0xFFFFC000  }
0x86: {  	[tilespmem:s23], [sflag:$0x4] =	stream.indirect.gather [hbm4b:s1+s26], $0x80, s3, s26, $0xb8;
	[tilespmem:$0x19C00] =	vst v63  }
0x87: {  	_ =	swait.ge [sflag:s13], $0x4000  }
0x88: {  	[sflag:s13] =	ssyncset.done $0x0  }
0x89: {  	[sflag:s13] =	ssyncadd.s32 $0xFFFFC000  }
0x8a: {  	[hbm4b:s19+s4] =	stream.linear.scatter [tilespmem:s30], [sflag:$0xC], $0x4000, $0x38;
	[tilespmem:$0x19C00] =	vst v63  }
0x8b: {  	_ =	swait.ge [sflag:s14], $0x4000  }
0x8c: {  	[sflag:s14] =	ssyncset.done $0x0  }
0x8d: {  	s3 =	sadd.s32 $0x500, s24;
	[sflag:s14] =	ssyncadd.s32 $0xFFFFC000  }
0x8e: {  	[tilespmem:s22], [sflag:$0x5] =	stream.indirect.gather [hbm4b:s1+s26], $0x80, s3, s26, $0xb8;
	[tilespmem:$0x19C00] =	vst v63  }
0x8f: {  	_ =	swait.ge [sflag:s28], $0x4000  }
0x90: {  	[sflag:s28] =	ssyncset.done $0x0  }
0x91: {  	[sflag:s28] =	ssyncadd.s32 $0xFFFFC000  }
0x92: {  	p0 =	sne.s32 s6, $0x4800;
	s3 =	sshrl.u32 s16, $0x3;
	s22 =	rddreg [dreg:$0x2]  }
0x93: {  	s6 =	sadd.s32 $0xC00, s6;
	s20 =	smov.u32 s25;
	s3 =	sadd.s32 s22, s3  }
0x94: {  	[hbm4b:s3+s4] =	stream.linear.scatter [tilespmem:s29], [sflag:$0x7], $0x4000, $0x38;
	[tilespmem:$0x19C00] =	vst v63  }
0x95: {  	s25 =	sadd.s32 $0x60000, s25;
	s18 =	sadd.s32 $0x60000, s18;
	_ =	swait.ge [sflag:s15], $0x4000  }
0x96: {  	s31 =	simm.s32 $0x9C00;
	s17 =	sadd.s32 $0x60000, s17;
	[sflag:s15] =	ssyncset.done $0x0  }
.Ltmp0:
0x97: {  	s24 =	sadd.s32 $0x580, s24;
	[sflag:s15] =	ssyncadd.s32 $0xFFFFC000;
	(pc) =	sbr.rel @p0 .LBB2_2-.Ltmp0, $4  }
0x98: {  	[tilespmem:s30], [sflag:$0x6] =	stream.indirect.gather [hbm4b:s1+s26], $0x80, s24, s26, $0xb8;
	[tilespmem:$0x19C00] =	vst v63  }
0x99: {  	s2 =	simm.s32 $0xDC00;
	s21 =	sadd.s32 $0x60000, s21;
	_ =	swait.ge [sflag:s0], $0x4000  }
0x9a: {  	s23 =	simm.s32 $0x11C00;
	s19 =	sadd.s32 $0x60000, s19;
	[sflag:s0] =	ssyncset.done $0x0  }
0x9b: {  	s16 =	sadd.s32 $0x300000, s16;
	s22 =	simm.s32 $0x15C00;
	[sflag:s0] =	ssyncadd.s32 $0xFFFFC000  }
0x9c: {  	s16 =	simm.s32 $0x5C00  }
0x9d: {  	[hbm4b:s20+s4] =	stream.linear.scatter [tilespmem:s16], [sflag:$0x8], $0x4000, $0x38;
	[tilespmem:$0x19C00] =	vst v63  }
0x9e: {  	_ =	swait.ge [sflag:s7], $0x4000  }
0x9f: {  	[sflag:s7] =	ssyncset.done $0x0  }
0xa0: {  	s17 =	simm.s32 $0x1800;
	s6 =	simm.s32 $0x1C00;
	[sflag:s7] =	ssyncadd.s32 $0xFFFFC000  }
0xa1: {  	[tilespmem:s6], [sflag:$0x1] =	stream.indirect.gather [hbm4b:s1+s26], $0x80, s17, s26, $0xb8;
	[tilespmem:$0x19C00] =	vst v63  }
0xa2: {  	_ =	swait.ge [sflag:s8], $0x4000  }
0xa3: {  	[sflag:s8] =	ssyncset.done $0x0  }
0xa4: {  	s3 =	rddreg [dreg:$0x8];
	[sflag:s8] =	ssyncadd.s32 $0xFFFFC000  }
0xa5: {  	[hbm4b:s3+s4] =	stream.linear.scatter [tilespmem:s31], [sflag:$0x9], $0x4000, $0x38;
	[tilespmem:$0x19C00] =	vst v63  }
0xa6: {  	_ =	swait.ge [sflag:s9], $0x4000  }
0xa7: {  	[sflag:s9] =	ssyncset.done $0x0  }
0xa8: {  	s18 =	simm.s32 $0x1880;
	[sflag:s9] =	ssyncadd.s32 $0xFFFFC000  }
0xa9: {  	[tilespmem:s16], [sflag:$0x2] =	stream.indirect.gather [hbm4b:s1+s26], $0x80, s18, s26, $0xb8;
	[tilespmem:$0x19C00] =	vst v63  }
0xaa: {  	_ =	swait.ge [sflag:s10], $0x4000  }
0xab: {  	[sflag:s10] =	ssyncset.done $0x0  }
0xac: {  	s19 =	rddreg [dreg:$0x9];
	[sflag:s10] =	ssyncadd.s32 $0xFFFFC000  }
0xad: {  	[hbm4b:s19+s4] =	stream.linear.scatter [tilespmem:s2], [sflag:$0xA], $0x4000, $0x38;
	[tilespmem:$0x19C00] =	vst v63  }
0xae: {  	_ =	swait.ge [sflag:s11], $0x4000  }
0xaf: {  	[sflag:s11] =	ssyncset.done $0x0  }
0xb0: {  	[sflag:s11] =	ssyncadd.s32 $0xFFFFC000  }
0xb1: {  	_ =	swait.ge [sflag:s12], $0x4000  }
0xb2: {  	[sflag:s12] =	ssyncset.done $0x0  }
0xb3: {  	s20 =	rddreg [dreg:$0xa];
	[sflag:s12] =	ssyncadd.s32 $0xFFFFC000  }
0xb4: {  	[hbm4b:s20+s4] =	stream.linear.scatter [tilespmem:s23], [sflag:$0xB], $0x4000, $0x38;
	[tilespmem:$0x19C00] =	vst v63  }
0xb5: {  	_ =	swait.ge [sflag:s5], $0x4000  }
0xb6: {  	[sflag:s5] =	ssyncset.done $0x0  }
0xb7: {  	[sflag:s5] =	ssyncadd.s32 $0xFFFFC000  }
0xb8: {  	_ =	swait.ge [sflag:s13], $0x4000  }
0xb9: {  	[sflag:s13] =	ssyncset.done $0x0  }
0xba: {  	s21 =	rddreg [dreg:$0xb];
	[sflag:s13] =	ssyncadd.s32 $0xFFFFC000  }
0xbb: {  	[hbm4b:s21+s4] =	stream.linear.scatter [tilespmem:s22], [sflag:$0xC], $0x4000, $0x38;
	[tilespmem:$0x19C00] =	vst v63  }
0xbc: {  	_ =	swait.ge [sflag:s14], $0x4000  }
0xbd: {  	[sflag:s14] =	ssyncset.done $0x0  }
0xbe: {  	[sflag:s14] =	ssyncadd.s32 $0xFFFFC000  }
0xbf: {  	_ =	swait.ge [sflag:s28], $0x4000  }
0xc0: {  	[sflag:s28] =	ssyncset.done $0x0  }
0xc1: {  	s23 =	rddreg [dreg:$0xc];
	[sflag:s28] =	ssyncadd.s32 $0xFFFFC000  }
0xc2: {  	[hbm4b:s23+s4] =	stream.linear.scatter [tilespmem:s6], [sflag:$0x7], $0x4000, $0x38;
	[tilespmem:$0x19C00] =	vst v63  }
0xc3: {  	_ =	swait.ge [sflag:s15], $0x4000  }
0xc4: {  	[sflag:s15] =	ssyncset.done $0x0  }
0xc5: {  	[sflag:s15] =	ssyncadd.s32 $0xFFFFC000  }
0xc6: {  	_ =	swait.ge [sflag:s0], $0x4000  }
0xc7: {  	[sflag:s0] =	ssyncset.done $0x0  }
0xc8: {  	s24 =	rddreg [dreg:$0xd];
	[sflag:s0] =	ssyncadd.s32 $0xFFFFC000  }
0xc9: {  	[hbm4b:s24+s4] =	stream.linear.scatter [tilespmem:s16], [sflag:$0x8], $0x4000, $0x38;
	[tilespmem:$0x19C00] =	vst v63  }
0xca: {  	_ =	swait.ge [sflag:s7], $0x4000  }
0xcb: {  	[sflag:s7] =	ssyncset.done $0x0  }
0xcc: {  	[sflag:s7] =	ssyncadd.s32 $0xFFFFC000  }
0xcd: {  	_ =	swait.ge [sflag:s9], $0x4000  }
0xce: {  	s25 =	rddreg [dreg:$0x15]  }
0xcf: {  	s31 =	rddreg [dreg:$0xe];
	s2 =	sadd.s32 $0x1, s25  }
0xd0: {  	p0 =	sne.s32 s2, s31  }
.Ltmp1:
0xd1: {  	_ = 	snop;
	(pc) =	sbr.rel @p0 .LBB2_1-.Ltmp1, $4  }
0xd2: {  	_ = 	snop  }
0xd3: {  	[sflag:s9] =	ssyncset.done $0x0  }
0xd4: {  	[sflag:s9] =	ssyncadd.s32 $0xFFFFC000  }
0xd5: {  	s24 =	rddreg [dreg:$0x2]  }
0xd6: {  	_ =	sfence.sel $0x180000  }
0xd7: {  	[bflag:$0x0] =	sbarrier.arrive $0xFFFF  }
0xd8: {  	_ =	strace $0x90000047  }
0xd9: {  	s0 =	stileid.u32;
	[bflag:$0x2] =	sbarrier.arrive $0xFFFF  }
0xda: {  	p0 =	sne.s32 s0, $0x0;
	s0 =	rddreg [dreg:$0x3]  }
0xdb: {  	s0 =	sadd.s32 @!p0 $0x100000, s0  }
0xdc: {  	[sflag:s0] =	ssyncadd.tile.s32 @!p0 $0x1;
	_ =	shalt  }
.Lfunc_end2:
_tile_overlayer_lowered:
.L_overlay_start_2:
0xdd: {  	(tag) =	ssettag $0x2  }
0xde: {  	s0 =	rddreg [dreg:$0x0];
	s2 =	stileid.u32  }
0xdf: {  	s1 =	rddreg [dreg:$0x1];
	p0 =	sne.s32 s2, $0x0  }
0xe0: {  	s3 =	rddreg [dreg:$0x2];
	[bflag:$0x3] =	sbarrier.arrive $0xFFFF;
	s2 =	simm.s32 @!p0 $0x1C0D  }
0xe1: {  	[timem:s3], [sflag:s2] =	dma.local @!p0 [hbm:s0], s1  }
0xe2: {  	s0 =	simm.s32 @!p0 $0xD  }
0xe3: {  	_ =	swait.ge @!p0 [sflag:s0], s1  }
0xe4: {  	s1 =	ssub.s32 @!p0 $0x0, s1;
	[sflag:s0] =	ssyncset.done @!p0 $0x0  }
0xe5: {  	[sflag:s0] =	ssyncadd.s32 @!p0 s1  }
0xe6: {  	[bflag:$0x3] =	sbarrier.arrive $0xFFFF  }
0xe7: {  	_ =	shalt  }

</sc_bundles>
